<compile_context>
chip_gen: v7x
topology: tpu7x:2x2x1
jax: 0.10.2.dev20260603
libtpu: 0.0.44.dev20260713+nightly
codegen_flags: <defaults>
</compile_context>

<pallas_src>
import functools

import jax
import jax.numpy as jnp
from jax import lax
from jax.experimental import pallas as pl
from jax.experimental.pallas import tpu as pltpu
from jax.experimental.pallas import tpu_sc as plsc

B = 16384
F = 26
D = 13
VOCAB = 100000
VOCAB_P = 100096
NC = 2
NS = 16
L = 16
NW = NC * NS
R = B // NW
RV = R // L


def _sc_body(xs_hbm, xd_hbm, w_hbm, tab_hbm, out_hbm,
             idx_v, g_v, xd_v, w_v, acc_v, sem):
    cid = lax.axis_index("c")
    sid = lax.axis_index("s")
    wid = sid * NC + cid
    base = wid * R

    stage = [
        pltpu.make_async_copy(
            xs_hbm.at[pl.ds(f * B + base, R)], idx_v.at[pl.ds(f * R, R)], sem
        )
        for f in range(F)
    ] + [
        pltpu.make_async_copy(
            xd_hbm.at[pl.ds(d * B + base, R)], xd_v.at[pl.ds(d * R, R)], sem
        )
        for d in range(D)
    ] + [pltpu.make_async_copy(w_hbm, w_v, sem)]
    for c in stage:
        c.start()
    for c in stage:
        c.wait()

    def add_off(j, _):
        sl = pl.ds(j * L, L)
        off = (j // RV) * VOCAB
        idx_v[sl] = idx_v[sl] + off
        return _

    lax.fori_loop(0, F * RV, add_off, 0, unroll=4)

    gather = pltpu.make_async_copy(tab_hbm.at[idx_v], g_v, sem)
    gather.start()
    gather.wait()

    wrows = [w_v[d] for d in range(D)]

    def reduce_one(j, _):
        sl = pl.ds(j * L, L)
        acc = g_v[sl]
        for f in range(1, F):
            acc = acc + g_v[pl.ds(f * R + j * L, L)]
        for d in range(D):
            acc = acc + xd_v[pl.ds(d * R + j * L, L)] * wrows[d]
        acc_v[sl] = acc
        return _

    lax.fori_loop(0, RV, reduce_one, 0, unroll=2)

    pltpu.sync_copy(acc_v, out_hbm.at[pl.ds(base, R)])


@jax.jit
def _linear_sc(xs_blocks, xd_blocks, w_rep, tab_flat):
    mesh = plsc.VectorSubcoreMesh(core_axis_name="c", subcore_axis_name="s")
    run = pl.kernel(
        _sc_body,
        out_type=jax.ShapeDtypeStruct((B,), jnp.float32),
        mesh=mesh,
        scratch_types=[
            pltpu.VMEM((F * R,), jnp.int32),
            pltpu.VMEM((F * R,), jnp.float32),
            pltpu.VMEM((D * R,), jnp.float32),
            pltpu.VMEM((D, L), jnp.float32),
            pltpu.VMEM((R,), jnp.float32),
            pltpu.SemaphoreType.DMA,
        ],
    )
    return run(xs_blocks, xd_blocks, w_rep, tab_flat)


def kernel(X_sparse, X_dense, tables, W_dense):
    xs_blocks = X_sparse.astype(jnp.int32).T.reshape(F * B)
    xd_blocks = X_dense.T.reshape(D * B)
    w_rep = jnp.broadcast_to(W_dense.reshape(D, 1), (D, L))
    tab2d = lax.optimization_barrier(tables[:, :, 0])
    tab_pad = tab2d.reshape(F * VOCAB)
    out = _linear_sc(xs_blocks, xd_blocks, w_rep, tab_pad)
    return out.reshape(B, 1)

# --- scband reference (transcript-rebuilt; emitter-appended) ---
"""Pipeline reference for scband-linear-24318104830474 (READ-ONLY COPY).

The authoritative reference and input builder live on the scoring server;
editing this copy changes nothing except your own understanding.
"""

import jax, jax.numpy as jnp
import numpy as np

B = 16384
N_SPARSE = 26
N_DENSE = 13
VOCAB = 100000
INIT_STD = 0.0001


def setup_inputs(seed: int = 0) -> dict:
    key = jax.random.key(seed)
    k1, k2, k3, k4 = jax.random.split(key, 4)
    X_sparse = jax.random.randint(k1, (B, N_SPARSE), 0, VOCAB, dtype=jnp.int64 if jax.config.jax_enable_x64 else jnp.int32)
    X_dense = jax.random.uniform(k2, (B, N_DENSE), dtype=jnp.float32)
    # one linear (embedding_dim=1) table per sparse field, stacked: [F, vocab, 1]
    tables = jax.random.normal(k3, (N_SPARSE, VOCAB, 1), dtype=jnp.float32) * INIT_STD
    # dense feature linear weight: [n_dense, 1]
    W_dense = jax.random.normal(k4, (N_DENSE, 1), dtype=jnp.float32) * INIT_STD
    return {"X_sparse": X_sparse, "X_dense": X_dense, "tables": tables, "W_dense": W_dense}


def reference(X_sparse, X_dense, tables, W_dense):
    # sparse_embedding_list: per-field gather from its own dim-1 table
    field_idx = jnp.arange(N_SPARSE)[None, :]            # [1, F]
    sparse_emb = tables[field_idx, X_sparse]             # [B, F, 1] gather
    sparse_logit = jnp.sum(sparse_emb, axis=1)           # [B, 1] (sum of first-order terms)
    dense_logit = X_dense @ W_dense                      # [B, 1]
    linear_logit = sparse_logit + dense_logit
    return linear_logit

if __name__ == "__main__":
    import jax
    _d = setup_inputs()
    print(jax.jit(kernel)(*tuple(_d.values())))

</pallas_src>

<mosaic_0001>
#map = affine_map<(d0, d1) -> (0)>
#map1 = affine_map<(d0, d1) -> (0, 0)>
module attributes {stable_mosaic.version = 14 : i64} {
  func.func @_sc_body(%arg0: i32, %arg1: i32, %arg2: memref<425984xi32, #tpu.memory_space<hbm>>, %arg3: memref<212992xf32, #tpu.memory_space<hbm>>, %arg4: memref<13x16xf32, #tpu.memory_space<hbm>>, %arg5: memref<2600000xf32, #tpu.memory_space<hbm>>, %arg6: memref<16384xf32, #tpu.memory_space<hbm>>, %arg7: memref<13312xi32, #tpu.memory_space<vmem>>, %arg8: memref<13312xf32, #tpu.memory_space<vmem>>, %arg9: memref<6656xf32, #tpu.memory_space<vmem>>, %arg10: memref<13x16xf32, #tpu.memory_space<vmem>>, %arg11: memref<512xf32, #tpu.memory_space<vmem>>, %arg12: memref<!tpu.dma_semaphore, #tpu.memory_space<semaphore_mem>>) attributes {dimension_semantics = [#tpu.dimension_semantics<core_parallel>, #tpu.dimension_semantics<subcore_parallel>], iteration_bounds = array<i64: 2, 16>, scalar_prefetch = 0 : i64, scratch_operands = 6 : i64, tpu.core_type = #tpu.core_type<sc_vector_subcore>, window_params = [{transform_indices = #map}, {transform_indices = #map}, {transform_indices = #map1}, {transform_indices = #map}, {transform_indices = #map}]} {
    %mul3A = arith.constant 2 : i32
    %mul3A_0 = arith.muli %arg1, %mul3A : i32
    %add3A = arith.addi %mul3A_0, %arg0 : i32
    %mul3A_1 = arith.constant 512 : i32
    %mul3A_2 = arith.muli %add3A, %mul3A_1 : i32
    %add3A_3 = arith.constant 0 : i32
    %add3A_4 = arith.addi %add3A_3, %mul3A_2 : i32
    %add3A_5 = arith.constant 16384 : i32
    %add3A_6 = arith.addi %add3A_5, %mul3A_2 : i32
    %add3A_7 = arith.constant 32768 : i32
    %add3A_8 = arith.addi %add3A_7, %mul3A_2 : i32
    %add3A_9 = arith.constant 49152 : i32
    %add3A_10 = arith.addi %add3A_9, %mul3A_2 : i32
    %add3A_11 = arith.constant 65536 : i32
    %add3A_12 = arith.addi %add3A_11, %mul3A_2 : i32
    %add3A_13 = arith.constant 81920 : i32
    %add3A_14 = arith.addi %add3A_13, %mul3A_2 : i32
    %add3A_15 = arith.constant 98304 : i32
    %add3A_16 = arith.addi %add3A_15, %mul3A_2 : i32
    %add3A_17 = arith.constant 114688 : i32
    %add3A_18 = arith.addi %add3A_17, %mul3A_2 : i32
    %add3A_19 = arith.constant 131072 : i32
    %add3A_20 = arith.addi %add3A_19, %mul3A_2 : i32
    %add3A_21 = arith.constant 147456 : i32
    %add3A_22 = arith.addi %add3A_21, %mul3A_2 : i32
    %add3A_23 = arith.constant 163840 : i32
    %add3A_24 = arith.addi %add3A_23, %mul3A_2 : i32
    %add3A_25 = arith.constant 180224 : i32
    %add3A_26 = arith.addi %add3A_25, %mul3A_2 : i32
    %add3A_27 = arith.constant 196608 : i32
    %add3A_28 = arith.addi %add3A_27, %mul3A_2 : i32
    %add3A_29 = arith.constant 212992 : i32
    %add3A_30 = arith.addi %add3A_29, %mul3A_2 : i32
    %add3A_31 = arith.constant 229376 : i32
    %add3A_32 = arith.addi %add3A_31, %mul3A_2 : i32
    %add3A_33 = arith.constant 245760 : i32
    %add3A_34 = arith.addi %add3A_33, %mul3A_2 : i32
    %add3A_35 = arith.constant 262144 : i32
    %add3A_36 = arith.addi %add3A_35, %mul3A_2 : i32
    %add3A_37 = arith.constant 278528 : i32
    %add3A_38 = arith.addi %add3A_37, %mul3A_2 : i32
    %add3A_39 = arith.constant 294912 : i32
    %add3A_40 = arith.addi %add3A_39, %mul3A_2 : i32
    %add3A_41 = arith.constant 311296 : i32
    %add3A_42 = arith.addi %add3A_41, %mul3A_2 : i32
    %add3A_43 = arith.constant 327680 : i32
    %add3A_44 = arith.addi %add3A_43, %mul3A_2 : i32
    %add3A_45 = arith.constant 344064 : i32
    %add3A_46 = arith.addi %add3A_45, %mul3A_2 : i32
    %add3A_47 = arith.constant 360448 : i32
    %add3A_48 = arith.addi %add3A_47, %mul3A_2 : i32
    %add3A_49 = arith.constant 376832 : i32
    %add3A_50 = arith.addi %add3A_49, %mul3A_2 : i32
    %add3A_51 = arith.constant 393216 : i32
    %add3A_52 = arith.addi %add3A_51, %mul3A_2 : i32
    %add3A_53 = arith.constant 409600 : i32
    %add3A_54 = arith.addi %add3A_53, %mul3A_2 : i32
    %add3A_55 = arith.constant 0 : i32
    %add3A_56 = arith.addi %add3A_55, %mul3A_2 : i32
    %add3A_57 = arith.constant 16384 : i32
    %add3A_58 = arith.addi %add3A_57, %mul3A_2 : i32
    %add3A_59 = arith.constant 32768 : i32
    %add3A_60 = arith.addi %add3A_59, %mul3A_2 : i32
    %add3A_61 = arith.constant 49152 : i32
    %add3A_62 = arith.addi %add3A_61, %mul3A_2 : i32
    %add3A_63 = arith.constant 65536 : i32
    %add3A_64 = arith.addi %add3A_63, %mul3A_2 : i32
    %add3A_65 = arith.constant 81920 : i32
    %add3A_66 = arith.addi %add3A_65, %mul3A_2 : i32
    %add3A_67 = arith.constant 98304 : i32
    %add3A_68 = arith.addi %add3A_67, %mul3A_2 : i32
    %add3A_69 = arith.constant 114688 : i32
    %add3A_70 = arith.addi %add3A_69, %mul3A_2 : i32
    %add3A_71 = arith.constant 131072 : i32
    %add3A_72 = arith.addi %add3A_71, %mul3A_2 : i32
    %add3A_73 = arith.constant 147456 : i32
    %add3A_74 = arith.addi %add3A_73, %mul3A_2 : i32
    %add3A_75 = arith.constant 163840 : i32
    %add3A_76 = arith.addi %add3A_75, %mul3A_2 : i32
    %add3A_77 = arith.constant 180224 : i32
    %add3A_78 = arith.addi %add3A_77, %mul3A_2 : i32
    %add3A_79 = arith.constant 196608 : i32
    %add3A_80 = arith.addi %add3A_79, %mul3A_2 : i32
    %dma_start3A = arith.constant 0 : i32
    %dma_start3A_81 = tpu.memref_slice %arg7[%dma_start3A] : memref<13312xi32, #tpu.memory_space<vmem>> -> memref<512xi32, #tpu.memory_space<vmem>>
    %dma_start3A_82 = tpu.memref_slice %arg2[%add3A_4] : memref<425984xi32, #tpu.memory_space<hbm>> -> memref<512xi32, #tpu.memory_space<hbm>>
    %dma_start3A_83 = arith.constant 0 : i32
    %dma_start3A_84 = tpu.memref_slice %arg7[%dma_start3A_83] : memref<13312xi32, #tpu.memory_space<vmem>> -> memref<512xi32, #tpu.memory_space<vmem>>
    %dma_start3A_85 = tpu.memref_slice %arg2[%add3A_4] : memref<425984xi32, #tpu.memory_space<hbm>> -> memref<512xi32, #tpu.memory_space<hbm>>
    tpu.enqueue_dma source(%dma_start3A_85 : memref<512xi32, #tpu.memory_space<hbm>>) target(%dma_start3A_84 : memref<512xi32, #tpu.memory_space<vmem>>) target_semaphore(%arg12 : memref<!tpu.dma_semaphore, #tpu.memory_space<semaphore_mem>>)
    %dma_start3A_86 = arith.constant 512 : i32
    %dma_start3A_87 = tpu.memref_slice %arg7[%dma_start3A_86] : memref<13312xi32, #tpu.memory_space<vmem>> -> memref<512xi32, #tpu.memory_space<vmem>>
    %dma_start3A_88 = tpu.memref_slice %arg2[%add3A_6] : memref<425984xi32, #tpu.memory_space<hbm>> -> memref<512xi32, #tpu.memory_space<hbm>>
    %dma_start3A_89 = arith.constant 512 : i32
    %dma_start3A_90 = tpu.memref_slice %arg7[%dma_start3A_89] : memref<13312xi32, #tpu.memory_space<vmem>> -> memref<512xi32, #tpu.memory_space<vmem>>
    %dma_start3A_91 = tpu.memref_slice %arg2[%add3A_6] : memref<425984xi32, #tpu.memory_space<hbm>> -> memref<512xi32, #tpu.memory_space<hbm>>
    tpu.enqueue_dma source(%dma_start3A_91 : memref<512xi32, #tpu.memory_space<hbm>>) target(%dma_start3A_90 : memref<512xi32, #tpu.memory_space<vmem>>) target_semaphore(%arg12 : memref<!tpu.dma_semaphore, #tpu.memory_space<semaphore_mem>>)
    %dma_start3A_92 = arith.constant 1024 : i32
    %dma_start3A_93 = tpu.memref_slice %arg7[%dma_start3A_92] : memref<13312xi32, #tpu.memory_space<vmem>> -> memref<512xi32, #tpu.memory_space<vmem>>
    %dma_start3A_94 = tpu.memref_slice %arg2[%add3A_8] : memref<425984xi32, #tpu.memory_space<hbm>> -> memref<512xi32, #tpu.memory_space<hbm>>
    %dma_start3A_95 = arith.constant 1024 : i32
    %dma_start3A_96 = tpu.memref_slice %arg7[%dma_start3A_95] : memref<13312xi32, #tpu.memory_space<vmem>> -> memref<512xi32, #tpu.memory_space<vmem>>
    %dma_start3A_97 = tpu.memref_slice %arg2[%add3A_8] : memref<425984xi32, #tpu.memory_space<hbm>> -> memref<512xi32, #tpu.memory_space<hbm>>
    tpu.enqueue_dma source(%dma_start3A_97 : memref<512xi32, #tpu.memory_space<hbm>>) target(%dma_start3A_96 : memref<512xi32, #tpu.memory_space<vmem>>) target_semaphore(%arg12 : memref<!tpu.dma_semaphore, #tpu.memory_space<semaphore_mem>>)
    %dma_start3A_98 = arith.constant 1536 : i32
    %dma_start3A_99 = tpu.memref_slice %arg7[%dma_start3A_98] : memref<13312xi32, #tpu.memory_space<vmem>> -> memref<512xi32, #tpu.memory_space<vmem>>
    %dma_start3A_100 = tpu.memref_slice %arg2[%add3A_10] : memref<425984xi32, #tpu.memory_space<hbm>> -> memref<512xi32, #tpu.memory_space<hbm>>
    %dma_start3A_101 = arith.constant 1536 : i32
    %dma_start3A_102 = tpu.memref_slice %arg7[%dma_start3A_101] : memref<13312xi32, #tpu.memory_space<vmem>> -> memref<512xi32, #tpu.memory_space<vmem>>
    %dma_start3A_103 = tpu.memref_slice %arg2[%add3A_10] : memref<425984xi32, #tpu.memory_space<hbm>> -> memref<512xi32, #tpu.memory_space<hbm>>
    tpu.enqueue_dma source(%dma_start3A_103 : memref<512xi32, #tpu.memory_space<hbm>>) target(%dma_start3A_102 : memref<512xi32, #tpu.memory_space<vmem>>) target_semaphore(%arg12 : memref<!tpu.dma_semaphore, #tpu.memory_space<semaphore_mem>>)
    %dma_start3A_104 = arith.constant 2048 : i32
    %dma_start3A_105 = tpu.memref_slice %arg7[%dma_start3A_104] : memref<13312xi32, #tpu.memory_space<vmem>> -> memref<512xi32, #tpu.memory_space<vmem>>
    %dma_start3A_106 = tpu.memref_slice %arg2[%add3A_12] : memref<425984xi32, #tpu.memory_space<hbm>> -> memref<512xi32, #tpu.memory_space<hbm>>
    %dma_start3A_107 = arith.constant 2048 : i32
    %dma_start3A_108 = tpu.memref_slice %arg7[%dma_start3A_107] : memref<13312xi32, #tpu.memory_space<vmem>> -> memref<512xi32, #tpu.memory_space<vmem>>
    %dma_start3A_109 = tpu.memref_slice %arg2[%add3A_12] : memref<425984xi32, #tpu.memory_space<hbm>> -> memref<512xi32, #tpu.memory_space<hbm>>
    tpu.enqueue_dma source(%dma_start3A_109 : memref<512xi32, #tpu.memory_space<hbm>>) target(%dma_start3A_108 : memref<512xi32, #tpu.memory_space<vmem>>) target_semaphore(%arg12 : memref<!tpu.dma_semaphore, #tpu.memory_space<semaphore_mem>>)
    %dma_start3A_110 = arith.constant 2560 : i32
    %dma_start3A_111 = tpu.memref_slice %arg7[%dma_start3A_110] : memref<13312xi32, #tpu.memory_space<vmem>> -> memref<512xi32, #tpu.memory_space<vmem>>
    %dma_start3A_112 = tpu.memref_slice %arg2[%add3A_14] : memref<425984xi32, #tpu.memory_space<hbm>> -> memref<512xi32, #tpu.memory_space<hbm>>
    %dma_start3A_113 = arith.constant 2560 : i32
    %dma_start3A_114 = tpu.memref_slice %arg7[%dma_start3A_113] : memref<13312xi32, #tpu.memory_space<vmem>> -> memref<512xi32, #tpu.memory_space<vmem>>
    %dma_start3A_115 = tpu.memref_slice %arg2[%add3A_14] : memref<425984xi32, #tpu.memory_space<hbm>> -> memref<512xi32, #tpu.memory_space<hbm>>
    tpu.enqueue_dma source(%dma_start3A_115 : memref<512xi32, #tpu.memory_space<hbm>>) target(%dma_start3A_114 : memref<512xi32, #tpu.memory_space<vmem>>) target_semaphore(%arg12 : memref<!tpu.dma_semaphore, #tpu.memory_space<semaphore_mem>>)
    %dma_start3A_116 = arith.constant 3072 : i32
    %dma_start3A_117 = tpu.memref_slice %arg7[%dma_start3A_116] : memref<13312xi32, #tpu.memory_space<vmem>> -> memref<512xi32, #tpu.memory_space<vmem>>
    %dma_start3A_118 = tpu.memref_slice %arg2[%add3A_16] : memref<425984xi32, #tpu.memory_space<hbm>> -> memref<512xi32, #tpu.memory_space<hbm>>
    %dma_start3A_119 = arith.constant 3072 : i32
    %dma_start3A_120 = tpu.memref_slice %arg7[%dma_start3A_119] : memref<13312xi32, #tpu.memory_space<vmem>> -> memref<512xi32, #tpu.memory_space<vmem>>
    %dma_start3A_121 = tpu.memref_slice %arg2[%add3A_16] : memref<425984xi32, #tpu.memory_space<hbm>> -> memref<512xi32, #tpu.memory_space<hbm>>
    tpu.enqueue_dma source(%dma_start3A_121 : memref<512xi32, #tpu.memory_space<hbm>>) target(%dma_start3A_120 : memref<512xi32, #tpu.memory_space<vmem>>) target_semaphore(%arg12 : memref<!tpu.dma_semaphore, #tpu.memory_space<semaphore_mem>>)
    %dma_start3A_122 = arith.constant 3584 : i32
    %dma_start3A_123 = tpu.memref_slice %arg7[%dma_start3A_122] : memref<13312xi32, #tpu.memory_space<vmem>> -> memref<512xi32, #tpu.memory_space<vmem>>
    %dma_start3A_124 = tpu.memref_slice %arg2[%add3A_18] : memref<425984xi32, #tpu.memory_space<hbm>> -> memref<512xi32, #tpu.memory_space<hbm>>
    %dma_start3A_125 = arith.constant 3584 : i32
    %dma_start3A_126 = tpu.memref_slice %arg7[%dma_start3A_125] : memref<13312xi32, #tpu.memory_space<vmem>> -> memref<512xi32, #tpu.memory_space<vmem>>
    %dma_start3A_127 = tpu.memref_slice %arg2[%add3A_18] : memref<425984xi32, #tpu.memory_space<hbm>> -> memref<512xi32, #tpu.memory_space<hbm>>
    tpu.enqueue_dma source(%dma_start3A_127 : memref<512xi32, #tpu.memory_space<hbm>>) target(%dma_start3A_126 : memref<512xi32, #tpu.memory_space<vmem>>) target_semaphore(%arg12 : memref<!tpu.dma_semaphore, #tpu.memory_space<semaphore_mem>>)
    %dma_start3A_128 = arith.constant 4096 : i32
    %dma_start3A_129 = tpu.memref_slice %arg7[%dma_start3A_128] : memref<13312xi32, #tpu.memory_space<vmem>> -> memref<512xi32, #tpu.memory_space<vmem>>
    %dma_start3A_130 = tpu.memref_slice %arg2[%add3A_20] : memref<425984xi32, #tpu.memory_space<hbm>> -> memref<512xi32, #tpu.memory_space<hbm>>
    %dma_start3A_131 = arith.constant 4096 : i32
    %dma_start3A_132 = tpu.memref_slice %arg7[%dma_start3A_131] : memref<13312xi32, #tpu.memory_space<vmem>> -> memref<512xi32, #tpu.memory_space<vmem>>
    %dma_start3A_133 = tpu.memref_slice %arg2[%add3A_20] : memref<425984xi32, #tpu.memory_space<hbm>> -> memref<512xi32, #tpu.memory_space<hbm>>
    tpu.enqueue_dma source(%dma_start3A_133 : memref<512xi32, #tpu.memory_space<hbm>>) target(%dma_start3A_132 : memref<512xi32, #tpu.memory_space<vmem>>) target_semaphore(%arg12 : memref<!tpu.dma_semaphore, #tpu.memory_space<semaphore_mem>>)
    %dma_start3A_134 = arith.constant 4608 : i32
    %dma_start3A_135 = tpu.memref_slice %arg7[%dma_start3A_134] : memref<13312xi32, #tpu.memory_space<vmem>> -> memref<512xi32, #tpu.memory_space<vmem>>
    %dma_start3A_136 = tpu.memref_slice %arg2[%add3A_22] : memref<425984xi32, #tpu.memory_space<hbm>> -> memref<512xi32, #tpu.memory_space<hbm>>
    %dma_start3A_137 = arith.constant 4608 : i32
    %dma_start3A_138 = tpu.memref_slice %arg7[%dma_start3A_137] : memref<13312xi32, #tpu.memory_space<vmem>> -> memref<512xi32, #tpu.memory_space<vmem>>
    %dma_start3A_139 = tpu.memref_slice %arg2[%add3A_22] : memref<425984xi32, #tpu.memory_space<hbm>> -> memref<512xi32, #tpu.memory_space<hbm>>
    tpu.enqueue_dma source(%dma_start3A_139 : memref<512xi32, #tpu.memory_space<hbm>>) target(%dma_start3A_138 : memref<512xi32, #tpu.memory_space<vmem>>) target_semaphore(%arg12 : memref<!tpu.dma_semaphore, #tpu.memory_space<semaphore_mem>>)
    %dma_start3A_140 = arith.constant 5120 : i32
    %dma_start3A_141 = tpu.memref_slice %arg7[%dma_start3A_140] : memref<13312xi32, #tpu.memory_space<vmem>> -> memref<512xi32, #tpu.memory_space<vmem>>
    %dma_start3A_142 = tpu.memref_slice %arg2[%add3A_24] : memref<425984xi32, #tpu.memory_space<hbm>> -> memref<512xi32, #tpu.memory_space<hbm>>
    %dma_start3A_143 = arith.constant 5120 : i32
    %dma_start3A_144 = tpu.memref_slice %arg7[%dma_start3A_143] : memref<13312xi32, #tpu.memory_space<vmem>> -> memref<512xi32, #tpu.memory_space<vmem>>
    %dma_start3A_145 = tpu.memref_slice %arg2[%add3A_24] : memref<425984xi32, #tpu.memory_space<hbm>> -> memref<512xi32, #tpu.memory_space<hbm>>
    tpu.enqueue_dma source(%dma_start3A_145 : memref<512xi32, #tpu.memory_space<hbm>>) target(%dma_start3A_144 : memref<512xi32, #tpu.memory_space<vmem>>) target_semaphore(%arg12 : memref<!tpu.dma_semaphore, #tpu.memory_space<semaphore_mem>>)
    %dma_start3A_146 = arith.constant 5632 : i32
    %dma_start3A_147 = tpu.memref_slice %arg7[%dma_start3A_146] : memref<13312xi32, #tpu.memory_space<vmem>> -> memref<512xi32, #tpu.memory_space<vmem>>
    %dma_start3A_148 = tpu.memref_slice %arg2[%add3A_26] : memref<425984xi32, #tpu.memory_space<hbm>> -> memref<512xi32, #tpu.memory_space<hbm>>
    %dma_start3A_149 = arith.constant 5632 : i32
    %dma_start3A_150 = tpu.memref_slice %arg7[%dma_start3A_149] : memref<13312xi32, #tpu.memory_space<vmem>> -> memref<512xi32, #tpu.memory_space<vmem>>
    %dma_start3A_151 = tpu.memref_slice %arg2[%add3A_26] : memref<425984xi32, #tpu.memory_space<hbm>> -> memref<512xi32, #tpu.memory_space<hbm>>
    tpu.enqueue_dma source(%dma_start3A_151 : memref<512xi32, #tpu.memory_space<hbm>>) target(%dma_start3A_150 : memref<512xi32, #tpu.memory_space<vmem>>) target_semaphore(%arg12 : memref<!tpu.dma_semaphore, #tpu.memory_space<semaphore_mem>>)
    %dma_start3A_152 = arith.constant 6144 : i32
    %dma_start3A_153 = tpu.memref_slice %arg7[%dma_start3A_152] : memref<13312xi32, #tpu.memory_space<vmem>> -> memref<512xi32, #tpu.memory_space<vmem>>
    %dma_start3A_154 = tpu.memref_slice %arg2[%add3A_28] : memref<425984xi32, #tpu.memory_space<hbm>> -> memref<512xi32, #tpu.memory_space<hbm>>
    %dma_start3A_155 = arith.constant 6144 : i32
    %dma_start3A_156 = tpu.memref_slice %arg7[%dma_start3A_155] : memref<13312xi32, #tpu.memory_space<vmem>> -> memref<512xi32, #tpu.memory_space<vmem>>
    %dma_start3A_157 = tpu.memref_slice %arg2[%add3A_28] : memref<425984xi32, #tpu.memory_space<hbm>> -> memref<512xi32, #tpu.memory_space<hbm>>
    tpu.enqueue_dma source(%dma_start3A_157 : memref<512xi32, #tpu.memory_space<hbm>>) target(%dma_start3A_156 : memref<512xi32, #tpu.memory_space<vmem>>) target_semaphore(%arg12 : memref<!tpu.dma_semaphore, #tpu.memory_space<semaphore_mem>>)
    %dma_start3A_158 = arith.constant 6656 : i32
    %dma_start3A_159 = tpu.memref_slice %arg7[%dma_start3A_158] : memref<13312xi32, #tpu.memory_space<vmem>> -> memref<512xi32, #tpu.memory_space<vmem>>
    %dma_start3A_160 = tpu.memref_slice %arg2[%add3A_30] : memref<425984xi32, #tpu.memory_space<hbm>> -> memref<512xi32, #tpu.memory_space<hbm>>
    %dma_start3A_161 = arith.constant 6656 : i32
    %dma_start3A_162 = tpu.memref_slice %arg7[%dma_start3A_161] : memref<13312xi32, #tpu.memory_space<vmem>> -> memref<512xi32, #tpu.memory_space<vmem>>
    %dma_start3A_163 = tpu.memref_slice %arg2[%add3A_30] : memref<425984xi32, #tpu.memory_space<hbm>> -> memref<512xi32, #tpu.memory_space<hbm>>
    tpu.enqueue_dma source(%dma_start3A_163 : memref<512xi32, #tpu.memory_space<hbm>>) target(%dma_start3A_162 : memref<512xi32, #tpu.memory_space<vmem>>) target_semaphore(%arg12 : memref<!tpu.dma_semaphore, #tpu.memory_space<semaphore_mem>>)
    %dma_start3A_164 = arith.constant 7168 : i32
    %dma_start3A_165 = tpu.memref_slice %arg7[%dma_start3A_164] : memref<13312xi32, #tpu.memory_space<vmem>> -> memref<512xi32, #tpu.memory_space<vmem>>
    %dma_start3A_166 = tpu.memref_slice %arg2[%add3A_32] : memref<425984xi32, #tpu.memory_space<hbm>> -> memref<512xi32, #tpu.memory_space<hbm>>
    %dma_start3A_167 = arith.constant 7168 : i32
    %dma_start3A_168 = tpu.memref_slice %arg7[%dma_start3A_167] : memref<13312xi32, #tpu.memory_space<vmem>> -> memref<512xi32, #tpu.memory_space<vmem>>
    %dma_start3A_169 = tpu.memref_slice %arg2[%add3A_32] : memref<425984xi32, #tpu.memory_space<hbm>> -> memref<512xi32, #tpu.memory_space<hbm>>
    tpu.enqueue_dma source(%dma_start3A_169 : memref<512xi32, #tpu.memory_space<hbm>>) target(%dma_start3A_168 : memref<512xi32, #tpu.memory_space<vmem>>) target_semaphore(%arg12 : memref<!tpu.dma_semaphore, #tpu.memory_space<semaphore_mem>>)
    %dma_start3A_170 = arith.constant 7680 : i32
    %dma_start3A_171 = tpu.memref_slice %arg7[%dma_start3A_170] : memref<13312xi32, #tpu.memory_space<vmem>> -> memref<512xi32, #tpu.memory_space<vmem>>
    %dma_start3A_172 = tpu.memref_slice %arg2[%add3A_34] : memref<425984xi32, #tpu.memory_space<hbm>> -> memref<512xi32, #tpu.memory_space<hbm>>
    %dma_start3A_173 = arith.constant 7680 : i32
    %dma_start3A_174 = tpu.memref_slice %arg7[%dma_start3A_173] : memref<13312xi32, #tpu.memory_space<vmem>> -> memref<512xi32, #tpu.memory_space<vmem>>
    %dma_start3A_175 = tpu.memref_slice %arg2[%add3A_34] : memref<425984xi32, #tpu.memory_space<hbm>> -> memref<512xi32, #tpu.memory_space<hbm>>
    tpu.enqueue_dma source(%dma_start3A_175 : memref<512xi32, #tpu.memory_space<hbm>>) target(%dma_start3A_174 : memref<512xi32, #tpu.memory_space<vmem>>) target_semaphore(%arg12 : memref<!tpu.dma_semaphore, #tpu.memory_space<semaphore_mem>>)
    %dma_start3A_176 = arith.constant 8192 : i32
    %dma_start3A_177 = tpu.memref_slice %arg7[%dma_start3A_176] : memref<13312xi32, #tpu.memory_space<vmem>> -> memref<512xi32, #tpu.memory_space<vmem>>
    %dma_start3A_178 = tpu.memref_slice %arg2[%add3A_36] : memref<425984xi32, #tpu.memory_space<hbm>> -> memref<512xi32, #tpu.memory_space<hbm>>
    %dma_start3A_179 = arith.constant 8192 : i32
    %dma_start3A_180 = tpu.memref_slice %arg7[%dma_start3A_179] : memref<13312xi32, #tpu.memory_space<vmem>> -> memref<512xi32, #tpu.memory_space<vmem>>
    %dma_start3A_181 = tpu.memref_slice %arg2[%add3A_36] : memref<425984xi32, #tpu.memory_space<hbm>> -> memref<512xi32, #tpu.memory_space<hbm>>
    tpu.enqueue_dma source(%dma_start3A_181 : memref<512xi32, #tpu.memory_space<hbm>>) target(%dma_start3A_180 : memref<512xi32, #tpu.memory_space<vmem>>) target_semaphore(%arg12 : memref<!tpu.dma_semaphore, #tpu.memory_space<semaphore_mem>>)
    %dma_start3A_182 = arith.constant 8704 : i32
    %dma_start3A_183 = tpu.memref_slice %arg7[%dma_start3A_182] : memref<13312xi32, #tpu.memory_space<vmem>> -> memref<512xi32, #tpu.memory_space<vmem>>
    %dma_start3A_184 = tpu.memref_slice %arg2[%add3A_38] : memref<425984xi32, #tpu.memory_space<hbm>> -> memref<512xi32, #tpu.memory_space<hbm>>
    %dma_start3A_185 = arith.constant 8704 : i32
    %dma_start3A_186 = tpu.memref_slice %arg7[%dma_start3A_185] : memref<13312xi32, #tpu.memory_space<vmem>> -> memref<512xi32, #tpu.memory_space<vmem>>
    %dma_start3A_187 = tpu.memref_slice %arg2[%add3A_38] : memref<425984xi32, #tpu.memory_space<hbm>> -> memref<512xi32, #tpu.memory_space<hbm>>
    tpu.enqueue_dma source(%dma_start3A_187 : memref<512xi32, #tpu.memory_space<hbm>>) target(%dma_start3A_186 : memref<512xi32, #tpu.memory_space<vmem>>) target_semaphore(%arg12 : memref<!tpu.dma_semaphore, #tpu.memory_space<semaphore_mem>>)
    %dma_start3A_188 = arith.constant 9216 : i32
    %dma_start3A_189 = tpu.memref_slice %arg7[%dma_start3A_188] : memref<13312xi32, #tpu.memory_space<vmem>> -> memref<512xi32, #tpu.memory_space<vmem>>
    %dma_start3A_190 = tpu.memref_slice %arg2[%add3A_40] : memref<425984xi32, #tpu.memory_space<hbm>> -> memref<512xi32, #tpu.memory_space<hbm>>
    %dma_start3A_191 = arith.constant 9216 : i32
    %dma_start3A_192 = tpu.memref_slice %arg7[%dma_start3A_191] : memref<13312xi32, #tpu.memory_space<vmem>> -> memref<512xi32, #tpu.memory_space<vmem>>
    %dma_start3A_193 = tpu.memref_slice %arg2[%add3A_40] : memref<425984xi32, #tpu.memory_space<hbm>> -> memref<512xi32, #tpu.memory_space<hbm>>
    tpu.enqueue_dma source(%dma_start3A_193 : memref<512xi32, #tpu.memory_space<hbm>>) target(%dma_start3A_192 : memref<512xi32, #tpu.memory_space<vmem>>) target_semaphore(%arg12 : memref<!tpu.dma_semaphore, #tpu.memory_space<semaphore_mem>>)
    %dma_start3A_194 = arith.constant 9728 : i32
    %dma_start3A_195 = tpu.memref_slice %arg7[%dma_start3A_194] : memref<13312xi32, #tpu.memory_space<vmem>> -> memref<512xi32, #tpu.memory_space<vmem>>
    %dma_start3A_196 = tpu.memref_slice %arg2[%add3A_42] : memref<425984xi32, #tpu.memory_space<hbm>> -> memref<512xi32, #tpu.memory_space<hbm>>
    %dma_start3A_197 = arith.constant 9728 : i32
    %dma_start3A_198 = tpu.memref_slice %arg7[%dma_start3A_197] : memref<13312xi32, #tpu.memory_space<vmem>> -> memref<512xi32, #tpu.memory_space<vmem>>
    %dma_start3A_199 = tpu.memref_slice %arg2[%add3A_42] : memref<425984xi32, #tpu.memory_space<hbm>> -> memref<512xi32, #tpu.memory_space<hbm>>
    tpu.enqueue_dma source(%dma_start3A_199 : memref<512xi32, #tpu.memory_space<hbm>>) target(%dma_start3A_198 : memref<512xi32, #tpu.memory_space<vmem>>) target_semaphore(%arg12 : memref<!tpu.dma_semaphore, #tpu.memory_space<semaphore_mem>>)
    %dma_start3A_200 = arith.constant 10240 : i32
    %dma_start3A_201 = tpu.memref_slice %arg7[%dma_start3A_200] : memref<13312xi32, #tpu.memory_space<vmem>> -> memref<512xi32, #tpu.memory_space<vmem>>
    %dma_start3A_202 = tpu.memref_slice %arg2[%add3A_44] : memref<425984xi32, #tpu.memory_space<hbm>> -> memref<512xi32, #tpu.memory_space<hbm>>
    %dma_start3A_203 = arith.constant 10240 : i32
    %dma_start3A_204 = tpu.memref_slice %arg7[%dma_start3A_203] : memref<13312xi32, #tpu.memory_space<vmem>> -> memref<512xi32, #tpu.memory_space<vmem>>
    %dma_start3A_205 = tpu.memref_slice %arg2[%add3A_44] : memref<425984xi32, #tpu.memory_space<hbm>> -> memref<512xi32, #tpu.memory_space<hbm>>
    tpu.enqueue_dma source(%dma_start3A_205 : memref<512xi32, #tpu.memory_space<hbm>>) target(%dma_start3A_204 : memref<512xi32, #tpu.memory_space<vmem>>) target_semaphore(%arg12 : memref<!tpu.dma_semaphore, #tpu.memory_space<semaphore_mem>>)
    %dma_start3A_206 = arith.constant 10752 : i32
    %dma_start3A_207 = tpu.memref_slice %arg7[%dma_start3A_206] : memref<13312xi32, #tpu.memory_space<vmem>> -> memref<512xi32, #tpu.memory_space<vmem>>
    %dma_start3A_208 = tpu.memref_slice %arg2[%add3A_46] : memref<425984xi32, #tpu.memory_space<hbm>> -> memref<512xi32, #tpu.memory_space<hbm>>
    %dma_start3A_209 = arith.constant 10752 : i32
    %dma_start3A_210 = tpu.memref_slice %arg7[%dma_start3A_209] : memref<13312xi32, #tpu.memory_space<vmem>> -> memref<512xi32, #tpu.memory_space<vmem>>
    %dma_start3A_211 = tpu.memref_slice %arg2[%add3A_46] : memref<425984xi32, #tpu.memory_space<hbm>> -> memref<512xi32, #tpu.memory_space<hbm>>
    tpu.enqueue_dma source(%dma_start3A_211 : memref<512xi32, #tpu.memory_space<hbm>>) target(%dma_start3A_210 : memref<512xi32, #tpu.memory_space<vmem>>) target_semaphore(%arg12 : memref<!tpu.dma_semaphore, #tpu.memory_space<semaphore_mem>>)
    %dma_start3A_212 = arith.constant 11264 : i32
    %dma_start3A_213 = tpu.memref_slice %arg7[%dma_start3A_212] : memref<13312xi32, #tpu.memory_space<vmem>> -> memref<512xi32, #tpu.memory_space<vmem>>
    %dma_start3A_214 = tpu.memref_slice %arg2[%add3A_48] : memref<425984xi32, #tpu.memory_space<hbm>> -> memref<512xi32, #tpu.memory_space<hbm>>
    %dma_start3A_215 = arith.constant 11264 : i32
    %dma_start3A_216 = tpu.memref_slice %arg7[%dma_start3A_215] : memref<13312xi32, #tpu.memory_space<vmem>> -> memref<512xi32, #tpu.memory_space<vmem>>
    %dma_start3A_217 = tpu.memref_slice %arg2[%add3A_48] : memref<425984xi32, #tpu.memory_space<hbm>> -> memref<512xi32, #tpu.memory_space<hbm>>
    tpu.enqueue_dma source(%dma_start3A_217 : memref<512xi32, #tpu.memory_space<hbm>>) target(%dma_start3A_216 : memref<512xi32, #tpu.memory_space<vmem>>) target_semaphore(%arg12 : memref<!tpu.dma_semaphore, #tpu.memory_space<semaphore_mem>>)
    %dma_start3A_218 = arith.constant 11776 : i32
    %dma_start3A_219 = tpu.memref_slice %arg7[%dma_start3A_218] : memref<13312xi32, #tpu.memory_space<vmem>> -> memref<512xi32, #tpu.memory_space<vmem>>
    %dma_start3A_220 = tpu.memref_slice %arg2[%add3A_50] : memref<425984xi32, #tpu.memory_space<hbm>> -> memref<512xi32, #tpu.memory_space<hbm>>
    %dma_start3A_221 = arith.constant 11776 : i32
    %dma_start3A_222 = tpu.memref_slice %arg7[%dma_start3A_221] : memref<13312xi32, #tpu.memory_space<vmem>> -> memref<512xi32, #tpu.memory_space<vmem>>
    %dma_start3A_223 = tpu.memref_slice %arg2[%add3A_50] : memref<425984xi32, #tpu.memory_space<hbm>> -> memref<512xi32, #tpu.memory_space<hbm>>
    tpu.enqueue_dma source(%dma_start3A_223 : memref<512xi32, #tpu.memory_space<hbm>>) target(%dma_start3A_222 : memref<512xi32, #tpu.memory_space<vmem>>) target_semaphore(%arg12 : memref<!tpu.dma_semaphore, #tpu.memory_space<semaphore_mem>>)
    %dma_start3A_224 = arith.constant 12288 : i32
    %dma_start3A_225 = tpu.memref_slice %arg7[%dma_start3A_224] : memref<13312xi32, #tpu.memory_space<vmem>> -> memref<512xi32, #tpu.memory_space<vmem>>
    %dma_start3A_226 = tpu.memref_slice %arg2[%add3A_52] : memref<425984xi32, #tpu.memory_space<hbm>> -> memref<512xi32, #tpu.memory_space<hbm>>
    %dma_start3A_227 = arith.constant 12288 : i32
    %dma_start3A_228 = tpu.memref_slice %arg7[%dma_start3A_227] : memref<13312xi32, #tpu.memory_space<vmem>> -> memref<512xi32, #tpu.memory_space<vmem>>
    %dma_start3A_229 = tpu.memref_slice %arg2[%add3A_52] : memref<425984xi32, #tpu.memory_space<hbm>> -> memref<512xi32, #tpu.memory_space<hbm>>
    tpu.enqueue_dma source(%dma_start3A_229 : memref<512xi32, #tpu.memory_space<hbm>>) target(%dma_start3A_228 : memref<512xi32, #tpu.memory_space<vmem>>) target_semaphore(%arg12 : memref<!tpu.dma_semaphore, #tpu.memory_space<semaphore_mem>>)
    %dma_start3A_230 = arith.constant 12800 : i32
    %dma_start3A_231 = tpu.memref_slice %arg7[%dma_start3A_230] : memref<13312xi32, #tpu.memory_space<vmem>> -> memref<512xi32, #tpu.memory_space<vmem>>
    %dma_start3A_232 = tpu.memref_slice %arg2[%add3A_54] : memref<425984xi32, #tpu.memory_space<hbm>> -> memref<512xi32, #tpu.memory_space<hbm>>
    %dma_start3A_233 = arith.constant 12800 : i32
    %dma_start3A_234 = tpu.memref_slice %arg7[%dma_start3A_233] : memref<13312xi32, #tpu.memory_space<vmem>> -> memref<512xi32, #tpu.memory_space<vmem>>
    %dma_start3A_235 = tpu.memref_slice %arg2[%add3A_54] : memref<425984xi32, #tpu.memory_space<hbm>> -> memref<512xi32, #tpu.memory_space<hbm>>
    tpu.enqueue_dma source(%dma_start3A_235 : memref<512xi32, #tpu.memory_space<hbm>>) target(%dma_start3A_234 : memref<512xi32, #tpu.memory_space<vmem>>) target_semaphore(%arg12 : memref<!tpu.dma_semaphore, #tpu.memory_space<semaphore_mem>>)
    %dma_start3A_236 = arith.constant 0 : i32
    %dma_start3A_237 = tpu.memref_slice %arg9[%dma_start3A_236] : memref<6656xf32, #tpu.memory_space<vmem>> -> memref<512xf32, #tpu.memory_space<vmem>>
    %dma_start3A_238 = tpu.memref_slice %arg3[%add3A_56] : memref<212992xf32, #tpu.memory_space<hbm>> -> memref<512xf32, #tpu.memory_space<hbm>>
    %dma_start3A_239 = arith.constant 0 : i32
    %dma_start3A_240 = tpu.memref_slice %arg9[%dma_start3A_239] : memref<6656xf32, #tpu.memory_space<vmem>> -> memref<512xf32, #tpu.memory_space<vmem>>
    %dma_start3A_241 = tpu.memref_slice %arg3[%add3A_56] : memref<212992xf32, #tpu.memory_space<hbm>> -> memref<512xf32, #tpu.memory_space<hbm>>
    tpu.enqueue_dma source(%dma_start3A_241 : memref<512xf32, #tpu.memory_space<hbm>>) target(%dma_start3A_240 : memref<512xf32, #tpu.memory_space<vmem>>) target_semaphore(%arg12 : memref<!tpu.dma_semaphore, #tpu.memory_space<semaphore_mem>>)
    %dma_start3A_242 = arith.constant 512 : i32
    %dma_start3A_243 = tpu.memref_slice %arg9[%dma_start3A_242] : memref<6656xf32, #tpu.memory_space<vmem>> -> memref<512xf32, #tpu.memory_space<vmem>>
    %dma_start3A_244 = tpu.memref_slice %arg3[%add3A_58] : memref<212992xf32, #tpu.memory_space<hbm>> -> memref<512xf32, #tpu.memory_space<hbm>>
    %dma_start3A_245 = arith.constant 512 : i32
    %dma_start3A_246 = tpu.memref_slice %arg9[%dma_start3A_245] : memref<6656xf32, #tpu.memory_space<vmem>> -> memref<512xf32, #tpu.memory_space<vmem>>
    %dma_start3A_247 = tpu.memref_slice %arg3[%add3A_58] : memref<212992xf32, #tpu.memory_space<hbm>> -> memref<512xf32, #tpu.memory_space<hbm>>
    tpu.enqueue_dma source(%dma_start3A_247 : memref<512xf32, #tpu.memory_space<hbm>>) target(%dma_start3A_246 : memref<512xf32, #tpu.memory_space<vmem>>) target_semaphore(%arg12 : memref<!tpu.dma_semaphore, #tpu.memory_space<semaphore_mem>>)
    %dma_start3A_248 = arith.constant 1024 : i32
    %dma_start3A_249 = tpu.memref_slice %arg9[%dma_start3A_248] : memref<6656xf32, #tpu.memory_space<vmem>> -> memref<512xf32, #tpu.memory_space<vmem>>
    %dma_start3A_250 = tpu.memref_slice %arg3[%add3A_60] : memref<212992xf32, #tpu.memory_space<hbm>> -> memref<512xf32, #tpu.memory_space<hbm>>
    %dma_start3A_251 = arith.constant 1024 : i32
    %dma_start3A_252 = tpu.memref_slice %arg9[%dma_start3A_251] : memref<6656xf32, #tpu.memory_space<vmem>> -> memref<512xf32, #tpu.memory_space<vmem>>
    %dma_start3A_253 = tpu.memref_slice %arg3[%add3A_60] : memref<212992xf32, #tpu.memory_space<hbm>> -> memref<512xf32, #tpu.memory_space<hbm>>
    tpu.enqueue_dma source(%dma_start3A_253 : memref<512xf32, #tpu.memory_space<hbm>>) target(%dma_start3A_252 : memref<512xf32, #tpu.memory_space<vmem>>) target_semaphore(%arg12 : memref<!tpu.dma_semaphore, #tpu.memory_space<semaphore_mem>>)
    %dma_start3A_254 = arith.constant 1536 : i32
    %dma_start3A_255 = tpu.memref_slice %arg9[%dma_start3A_254] : memref<6656xf32, #tpu.memory_space<vmem>> -> memref<512xf32, #tpu.memory_space<vmem>>
    %dma_start3A_256 = tpu.memref_slice %arg3[%add3A_62] : memref<212992xf32, #tpu.memory_space<hbm>> -> memref<512xf32, #tpu.memory_space<hbm>>
    %dma_start3A_257 = arith.constant 1536 : i32
    %dma_start3A_258 = tpu.memref_slice %arg9[%dma_start3A_257] : memref<6656xf32, #tpu.memory_space<vmem>> -> memref<512xf32, #tpu.memory_space<vmem>>
    %dma_start3A_259 = tpu.memref_slice %arg3[%add3A_62] : memref<212992xf32, #tpu.memory_space<hbm>> -> memref<512xf32, #tpu.memory_space<hbm>>
    tpu.enqueue_dma source(%dma_start3A_259 : memref<512xf32, #tpu.memory_space<hbm>>) target(%dma_start3A_258 : memref<512xf32, #tpu.memory_space<vmem>>) target_semaphore(%arg12 : memref<!tpu.dma_semaphore, #tpu.memory_space<semaphore_mem>>)
    %dma_start3A_260 = arith.constant 2048 : i32
    %dma_start3A_261 = tpu.memref_slice %arg9[%dma_start3A_260] : memref<6656xf32, #tpu.memory_space<vmem>> -> memref<512xf32, #tpu.memory_space<vmem>>
    %dma_start3A_262 = tpu.memref_slice %arg3[%add3A_64] : memref<212992xf32, #tpu.memory_space<hbm>> -> memref<512xf32, #tpu.memory_space<hbm>>
    %dma_start3A_263 = arith.constant 2048 : i32
    %dma_start3A_264 = tpu.memref_slice %arg9[%dma_start3A_263] : memref<6656xf32, #tpu.memory_space<vmem>> -> memref<512xf32, #tpu.memory_space<vmem>>
    %dma_start3A_265 = tpu.memref_slice %arg3[%add3A_64] : memref<212992xf32, #tpu.memory_space<hbm>> -> memref<512xf32, #tpu.memory_space<hbm>>
    tpu.enqueue_dma source(%dma_start3A_265 : memref<512xf32, #tpu.memory_space<hbm>>) target(%dma_start3A_264 : memref<512xf32, #tpu.memory_space<vmem>>) target_semaphore(%arg12 : memref<!tpu.dma_semaphore, #tpu.memory_space<semaphore_mem>>)
    %dma_start3A_266 = arith.constant 2560 : i32
    %dma_start3A_267 = tpu.memref_slice %arg9[%dma_start3A_266] : memref<6656xf32, #tpu.memory_space<vmem>> -> memref<512xf32, #tpu.memory_space<vmem>>
    %dma_start3A_268 = tpu.memref_slice %arg3[%add3A_66] : memref<212992xf32, #tpu.memory_space<hbm>> -> memref<512xf32, #tpu.memory_space<hbm>>
    %dma_start3A_269 = arith.constant 2560 : i32
    %dma_start3A_270 = tpu.memref_slice %arg9[%dma_start3A_269] : memref<6656xf32, #tpu.memory_space<vmem>> -> memref<512xf32, #tpu.memory_space<vmem>>
    %dma_start3A_271 = tpu.memref_slice %arg3[%add3A_66] : memref<212992xf32, #tpu.memory_space<hbm>> -> memref<512xf32, #tpu.memory_space<hbm>>
    tpu.enqueue_dma source(%dma_start3A_271 : memref<512xf32, #tpu.memory_space<hbm>>) target(%dma_start3A_270 : memref<512xf32, #tpu.memory_space<vmem>>) target_semaphore(%arg12 : memref<!tpu.dma_semaphore, #tpu.memory_space<semaphore_mem>>)
    %dma_start3A_272 = arith.constant 3072 : i32
    %dma_start3A_273 = tpu.memref_slice %arg9[%dma_start3A_272] : memref<6656xf32, #tpu.memory_space<vmem>> -> memref<512xf32, #tpu.memory_space<vmem>>
    %dma_start3A_274 = tpu.memref_slice %arg3[%add3A_68] : memref<212992xf32, #tpu.memory_space<hbm>> -> memref<512xf32, #tpu.memory_space<hbm>>
    %dma_start3A_275 = arith.constant 3072 : i32
    %dma_start3A_276 = tpu.memref_slice %arg9[%dma_start3A_275] : memref<6656xf32, #tpu.memory_space<vmem>> -> memref<512xf32, #tpu.memory_space<vmem>>
    %dma_start3A_277 = tpu.memref_slice %arg3[%add3A_68] : memref<212992xf32, #tpu.memory_space<hbm>> -> memref<512xf32, #tpu.memory_space<hbm>>
    tpu.enqueue_dma source(%dma_start3A_277 : memref<512xf32, #tpu.memory_space<hbm>>) target(%dma_start3A_276 : memref<512xf32, #tpu.memory_space<vmem>>) target_semaphore(%arg12 : memref<!tpu.dma_semaphore, #tpu.memory_space<semaphore_mem>>)
    %dma_start3A_278 = arith.constant 3584 : i32
    %dma_start3A_279 = tpu.memref_slice %arg9[%dma_start3A_278] : memref<6656xf32, #tpu.memory_space<vmem>> -> memref<512xf32, #tpu.memory_space<vmem>>
    %dma_start3A_280 = tpu.memref_slice %arg3[%add3A_70] : memref<212992xf32, #tpu.memory_space<hbm>> -> memref<512xf32, #tpu.memory_space<hbm>>
    %dma_start3A_281 = arith.constant 3584 : i32
    %dma_start3A_282 = tpu.memref_slice %arg9[%dma_start3A_281] : memref<6656xf32, #tpu.memory_space<vmem>> -> memref<512xf32, #tpu.memory_space<vmem>>
    %dma_start3A_283 = tpu.memref_slice %arg3[%add3A_70] : memref<212992xf32, #tpu.memory_space<hbm>> -> memref<512xf32, #tpu.memory_space<hbm>>
    tpu.enqueue_dma source(%dma_start3A_283 : memref<512xf32, #tpu.memory_space<hbm>>) target(%dma_start3A_282 : memref<512xf32, #tpu.memory_space<vmem>>) target_semaphore(%arg12 : memref<!tpu.dma_semaphore, #tpu.memory_space<semaphore_mem>>)
    %dma_start3A_284 = arith.constant 4096 : i32
    %dma_start3A_285 = tpu.memref_slice %arg9[%dma_start3A_284] : memref<6656xf32, #tpu.memory_space<vmem>> -> memref<512xf32, #tpu.memory_space<vmem>>
    %dma_start3A_286 = tpu.memref_slice %arg3[%add3A_72] : memref<212992xf32, #tpu.memory_space<hbm>> -> memref<512xf32, #tpu.memory_space<hbm>>
    %dma_start3A_287 = arith.constant 4096 : i32
    %dma_start3A_288 = tpu.memref_slice %arg9[%dma_start3A_287] : memref<6656xf32, #tpu.memory_space<vmem>> -> memref<512xf32, #tpu.memory_space<vmem>>
    %dma_start3A_289 = tpu.memref_slice %arg3[%add3A_72] : memref<212992xf32, #tpu.memory_space<hbm>> -> memref<512xf32, #tpu.memory_space<hbm>>
    tpu.enqueue_dma source(%dma_start3A_289 : memref<512xf32, #tpu.memory_space<hbm>>) target(%dma_start3A_288 : memref<512xf32, #tpu.memory_space<vmem>>) target_semaphore(%arg12 : memref<!tpu.dma_semaphore, #tpu.memory_space<semaphore_mem>>)
    %dma_start3A_290 = arith.constant 4608 : i32
    %dma_start3A_291 = tpu.memref_slice %arg9[%dma_start3A_290] : memref<6656xf32, #tpu.memory_space<vmem>> -> memref<512xf32, #tpu.memory_space<vmem>>
    %dma_start3A_292 = tpu.memref_slice %arg3[%add3A_74] : memref<212992xf32, #tpu.memory_space<hbm>> -> memref<512xf32, #tpu.memory_space<hbm>>
    %dma_start3A_293 = arith.constant 4608 : i32
    %dma_start3A_294 = tpu.memref_slice %arg9[%dma_start3A_293] : memref<6656xf32, #tpu.memory_space<vmem>> -> memref<512xf32, #tpu.memory_space<vmem>>
    %dma_start3A_295 = tpu.memref_slice %arg3[%add3A_74] : memref<212992xf32, #tpu.memory_space<hbm>> -> memref<512xf32, #tpu.memory_space<hbm>>
    tpu.enqueue_dma source(%dma_start3A_295 : memref<512xf32, #tpu.memory_space<hbm>>) target(%dma_start3A_294 : memref<512xf32, #tpu.memory_space<vmem>>) target_semaphore(%arg12 : memref<!tpu.dma_semaphore, #tpu.memory_space<semaphore_mem>>)
    %dma_start3A_296 = arith.constant 5120 : i32
    %dma_start3A_297 = tpu.memref_slice %arg9[%dma_start3A_296] : memref<6656xf32, #tpu.memory_space<vmem>> -> memref<512xf32, #tpu.memory_space<vmem>>
    %dma_start3A_298 = tpu.memref_slice %arg3[%add3A_76] : memref<212992xf32, #tpu.memory_space<hbm>> -> memref<512xf32, #tpu.memory_space<hbm>>
    %dma_start3A_299 = arith.constant 5120 : i32
    %dma_start3A_300 = tpu.memref_slice %arg9[%dma_start3A_299] : memref<6656xf32, #tpu.memory_space<vmem>> -> memref<512xf32, #tpu.memory_space<vmem>>
    %dma_start3A_301 = tpu.memref_slice %arg3[%add3A_76] : memref<212992xf32, #tpu.memory_space<hbm>> -> memref<512xf32, #tpu.memory_space<hbm>>
    tpu.enqueue_dma source(%dma_start3A_301 : memref<512xf32, #tpu.memory_space<hbm>>) target(%dma_start3A_300 : memref<512xf32, #tpu.memory_space<vmem>>) target_semaphore(%arg12 : memref<!tpu.dma_semaphore, #tpu.memory_space<semaphore_mem>>)
    %dma_start3A_302 = arith.constant 5632 : i32
    %dma_start3A_303 = tpu.memref_slice %arg9[%dma_start3A_302] : memref<6656xf32, #tpu.memory_space<vmem>> -> memref<512xf32, #tpu.memory_space<vmem>>
    %dma_start3A_304 = tpu.memref_slice %arg3[%add3A_78] : memref<212992xf32, #tpu.memory_space<hbm>> -> memref<512xf32, #tpu.memory_space<hbm>>
    %dma_start3A_305 = arith.constant 5632 : i32
    %dma_start3A_306 = tpu.memref_slice %arg9[%dma_start3A_305] : memref<6656xf32, #tpu.memory_space<vmem>> -> memref<512xf32, #tpu.memory_space<vmem>>
    %dma_start3A_307 = tpu.memref_slice %arg3[%add3A_78] : memref<212992xf32, #tpu.memory_space<hbm>> -> memref<512xf32, #tpu.memory_space<hbm>>
    tpu.enqueue_dma source(%dma_start3A_307 : memref<512xf32, #tpu.memory_space<hbm>>) target(%dma_start3A_306 : memref<512xf32, #tpu.memory_space<vmem>>) target_semaphore(%arg12 : memref<!tpu.dma_semaphore, #tpu.memory_space<semaphore_mem>>)
    %dma_start3A_308 = arith.constant 6144 : i32
    %dma_start3A_309 = tpu.memref_slice %arg9[%dma_start3A_308] : memref<6656xf32, #tpu.memory_space<vmem>> -> memref<512xf32, #tpu.memory_space<vmem>>
    %dma_start3A_310 = tpu.memref_slice %arg3[%add3A_80] : memref<212992xf32, #tpu.memory_space<hbm>> -> memref<512xf32, #tpu.memory_space<hbm>>
    %dma_start3A_311 = arith.constant 6144 : i32
    %dma_start3A_312 = tpu.memref_slice %arg9[%dma_start3A_311] : memref<6656xf32, #tpu.memory_space<vmem>> -> memref<512xf32, #tpu.memory_space<vmem>>
    %dma_start3A_313 = tpu.memref_slice %arg3[%add3A_80] : memref<212992xf32, #tpu.memory_space<hbm>> -> memref<512xf32, #tpu.memory_space<hbm>>
    tpu.enqueue_dma source(%dma_start3A_313 : memref<512xf32, #tpu.memory_space<hbm>>) target(%dma_start3A_312 : memref<512xf32, #tpu.memory_space<vmem>>) target_semaphore(%arg12 : memref<!tpu.dma_semaphore, #tpu.memory_space<semaphore_mem>>)
    tpu.enqueue_dma source(%arg4 : memref<13x16xf32, #tpu.memory_space<hbm>>) target(%arg10 : memref<13x16xf32, #tpu.memory_space<vmem>>) target_semaphore(%arg12 : memref<!tpu.dma_semaphore, #tpu.memory_space<semaphore_mem>>)
    %dma_wait3A = arith.constant 0 : i32
    %dma_wait3A_314 = tpu.memref_slice %arg7[%dma_wait3A] : memref<13312xi32, #tpu.memory_space<vmem>> -> memref<512xi32, #tpu.memory_space<vmem>>
    %dma_wait3A_315 = tpu.memref_slice %arg2[%add3A_4] : memref<425984xi32, #tpu.memory_space<hbm>> -> memref<512xi32, #tpu.memory_space<hbm>>
    %dma_wait3A_316 = arith.constant 0 : i32
    %dma_wait3A_317 = tpu.memref_slice %arg7[%dma_wait3A_316] : memref<13312xi32, #tpu.memory_space<vmem>> -> memref<512xi32, #tpu.memory_space<vmem>>
    %dma_wait3A_318 = tpu.memref_slice %arg2[%add3A_4] : memref<425984xi32, #tpu.memory_space<hbm>> -> memref<512xi32, #tpu.memory_space<hbm>>
    tpu.wait_dma2 semaphore(%arg12 : memref<!tpu.dma_semaphore, #tpu.memory_space<semaphore_mem>>) src(%dma_wait3A_318 : memref<512xi32, #tpu.memory_space<hbm>>) dst(%dma_wait3A_317 : memref<512xi32, #tpu.memory_space<vmem>>)
    %dma_wait3A_319 = arith.constant 512 : i32
    %dma_wait3A_320 = tpu.memref_slice %arg7[%dma_wait3A_319] : memref<13312xi32, #tpu.memory_space<vmem>> -> memref<512xi32, #tpu.memory_space<vmem>>
    %dma_wait3A_321 = tpu.memref_slice %arg2[%add3A_6] : memref<425984xi32, #tpu.memory_space<hbm>> -> memref<512xi32, #tpu.memory_space<hbm>>
    %dma_wait3A_322 = arith.constant 512 : i32
    %dma_wait3A_323 = tpu.memref_slice %arg7[%dma_wait3A_322] : memref<13312xi32, #tpu.memory_space<vmem>> -> memref<512xi32, #tpu.memory_space<vmem>>
    %dma_wait3A_324 = tpu.memref_slice %arg2[%add3A_6] : memref<425984xi32, #tpu.memory_space<hbm>> -> memref<512xi32, #tpu.memory_space<hbm>>
    tpu.wait_dma2 semaphore(%arg12 : memref<!tpu.dma_semaphore, #tpu.memory_space<semaphore_mem>>) src(%dma_wait3A_324 : memref<512xi32, #tpu.memory_space<hbm>>) dst(%dma_wait3A_323 : memref<512xi32, #tpu.memory_space<vmem>>)
    %dma_wait3A_325 = arith.constant 1024 : i32
    %dma_wait3A_326 = tpu.memref_slice %arg7[%dma_wait3A_325] : memref<13312xi32, #tpu.memory_space<vmem>> -> memref<512xi32, #tpu.memory_space<vmem>>
    %dma_wait3A_327 = tpu.memref_slice %arg2[%add3A_8] : memref<425984xi32, #tpu.memory_space<hbm>> -> memref<512xi32, #tpu.memory_space<hbm>>
    %dma_wait3A_328 = arith.constant 1024 : i32
    %dma_wait3A_329 = tpu.memref_slice %arg7[%dma_wait3A_328] : memref<13312xi32, #tpu.memory_space<vmem>> -> memref<512xi32, #tpu.memory_space<vmem>>
    %dma_wait3A_330 = tpu.memref_slice %arg2[%add3A_8] : memref<425984xi32, #tpu.memory_space<hbm>> -> memref<512xi32, #tpu.memory_space<hbm>>
    tpu.wait_dma2 semaphore(%arg12 : memref<!tpu.dma_semaphore, #tpu.memory_space<semaphore_mem>>) src(%dma_wait3A_330 : memref<512xi32, #tpu.memory_space<hbm>>) dst(%dma_wait3A_329 : memref<512xi32, #tpu.memory_space<vmem>>)
    %dma_wait3A_331 = arith.constant 1536 : i32
    %dma_wait3A_332 = tpu.memref_slice %arg7[%dma_wait3A_331] : memref<13312xi32, #tpu.memory_space<vmem>> -> memref<512xi32, #tpu.memory_space<vmem>>
    %dma_wait3A_333 = tpu.memref_slice %arg2[%add3A_10] : memref<425984xi32, #tpu.memory_space<hbm>> -> memref<512xi32, #tpu.memory_space<hbm>>
    %dma_wait3A_334 = arith.constant 1536 : i32
    %dma_wait3A_335 = tpu.memref_slice %arg7[%dma_wait3A_334] : memref<13312xi32, #tpu.memory_space<vmem>> -> memref<512xi32, #tpu.memory_space<vmem>>
    %dma_wait3A_336 = tpu.memref_slice %arg2[%add3A_10] : memref<425984xi32, #tpu.memory_space<hbm>> -> memref<512xi32, #tpu.memory_space<hbm>>
    tpu.wait_dma2 semaphore(%arg12 : memref<!tpu.dma_semaphore, #tpu.memory_space<semaphore_mem>>) src(%dma_wait3A_336 : memref<512xi32, #tpu.memory_space<hbm>>) dst(%dma_wait3A_335 : memref<512xi32, #tpu.memory_space<vmem>>)
    %dma_wait3A_337 = arith.constant 2048 : i32
    %dma_wait3A_338 = tpu.memref_slice %arg7[%dma_wait3A_337] : memref<13312xi32, #tpu.memory_space<vmem>> -> memref<512xi32, #tpu.memory_space<vmem>>
    %dma_wait3A_339 = tpu.memref_slice %arg2[%add3A_12] : memref<425984xi32, #tpu.memory_space<hbm>> -> memref<512xi32, #tpu.memory_space<hbm>>
    %dma_wait3A_340 = arith.constant 2048 : i32
    %dma_wait3A_341 = tpu.memref_slice %arg7[%dma_wait3A_340] : memref<13312xi32, #tpu.memory_space<vmem>> -> memref<512xi32, #tpu.memory_space<vmem>>
    %dma_wait3A_342 = tpu.memref_slice %arg2[%add3A_12] : memref<425984xi32, #tpu.memory_space<hbm>> -> memref<512xi32, #tpu.memory_space<hbm>>
    tpu.wait_dma2 semaphore(%arg12 : memref<!tpu.dma_semaphore, #tpu.memory_space<semaphore_mem>>) src(%dma_wait3A_342 : memref<512xi32, #tpu.memory_space<hbm>>) dst(%dma_wait3A_341 : memref<512xi32, #tpu.memory_space<vmem>>)
    %dma_wait3A_343 = arith.constant 2560 : i32
    %dma_wait3A_344 = tpu.memref_slice %arg7[%dma_wait3A_343] : memref<13312xi32, #tpu.memory_space<vmem>> -> memref<512xi32, #tpu.memory_space<vmem>>
    %dma_wait3A_345 = tpu.memref_slice %arg2[%add3A_14] : memref<425984xi32, #tpu.memory_space<hbm>> -> memref<512xi32, #tpu.memory_space<hbm>>
    %dma_wait3A_346 = arith.constant 2560 : i32
    %dma_wait3A_347 = tpu.memref_slice %arg7[%dma_wait3A_346] : memref<13312xi32, #tpu.memory_space<vmem>> -> memref<512xi32, #tpu.memory_space<vmem>>
    %dma_wait3A_348 = tpu.memref_slice %arg2[%add3A_14] : memref<425984xi32, #tpu.memory_space<hbm>> -> memref<512xi32, #tpu.memory_space<hbm>>
    tpu.wait_dma2 semaphore(%arg12 : memref<!tpu.dma_semaphore, #tpu.memory_space<semaphore_mem>>) src(%dma_wait3A_348 : memref<512xi32, #tpu.memory_space<hbm>>) dst(%dma_wait3A_347 : memref<512xi32, #tpu.memory_space<vmem>>)
    %dma_wait3A_349 = arith.constant 3072 : i32
    %dma_wait3A_350 = tpu.memref_slice %arg7[%dma_wait3A_349] : memref<13312xi32, #tpu.memory_space<vmem>> -> memref<512xi32, #tpu.memory_space<vmem>>
    %dma_wait3A_351 = tpu.memref_slice %arg2[%add3A_16] : memref<425984xi32, #tpu.memory_space<hbm>> -> memref<512xi32, #tpu.memory_space<hbm>>
    %dma_wait3A_352 = arith.constant 3072 : i32
    %dma_wait3A_353 = tpu.memref_slice %arg7[%dma_wait3A_352] : memref<13312xi32, #tpu.memory_space<vmem>> -> memref<512xi32, #tpu.memory_space<vmem>>
    %dma_wait3A_354 = tpu.memref_slice %arg2[%add3A_16] : memref<425984xi32, #tpu.memory_space<hbm>> -> memref<512xi32, #tpu.memory_space<hbm>>
    tpu.wait_dma2 semaphore(%arg12 : memref<!tpu.dma_semaphore, #tpu.memory_space<semaphore_mem>>) src(%dma_wait3A_354 : memref<512xi32, #tpu.memory_space<hbm>>) dst(%dma_wait3A_353 : memref<512xi32, #tpu.memory_space<vmem>>)
    %dma_wait3A_355 = arith.constant 3584 : i32
    %dma_wait3A_356 = tpu.memref_slice %arg7[%dma_wait3A_355] : memref<13312xi32, #tpu.memory_space<vmem>> -> memref<512xi32, #tpu.memory_space<vmem>>
    %dma_wait3A_357 = tpu.memref_slice %arg2[%add3A_18] : memref<425984xi32, #tpu.memory_space<hbm>> -> memref<512xi32, #tpu.memory_space<hbm>>
    %dma_wait3A_358 = arith.constant 3584 : i32
    %dma_wait3A_359 = tpu.memref_slice %arg7[%dma_wait3A_358] : memref<13312xi32, #tpu.memory_space<vmem>> -> memref<512xi32, #tpu.memory_space<vmem>>
    %dma_wait3A_360 = tpu.memref_slice %arg2[%add3A_18] : memref<425984xi32, #tpu.memory_space<hbm>> -> memref<512xi32, #tpu.memory_space<hbm>>
    tpu.wait_dma2 semaphore(%arg12 : memref<!tpu.dma_semaphore, #tpu.memory_space<semaphore_mem>>) src(%dma_wait3A_360 : memref<512xi32, #tpu.memory_space<hbm>>) dst(%dma_wait3A_359 : memref<512xi32, #tpu.memory_space<vmem>>)
    %dma_wait3A_361 = arith.constant 4096 : i32
    %dma_wait3A_362 = tpu.memref_slice %arg7[%dma_wait3A_361] : memref<13312xi32, #tpu.memory_space<vmem>> -> memref<512xi32, #tpu.memory_space<vmem>>
    %dma_wait3A_363 = tpu.memref_slice %arg2[%add3A_20] : memref<425984xi32, #tpu.memory_space<hbm>> -> memref<512xi32, #tpu.memory_space<hbm>>
    %dma_wait3A_364 = arith.constant 4096 : i32
    %dma_wait3A_365 = tpu.memref_slice %arg7[%dma_wait3A_364] : memref<13312xi32, #tpu.memory_space<vmem>> -> memref<512xi32, #tpu.memory_space<vmem>>
    %dma_wait3A_366 = tpu.memref_slice %arg2[%add3A_20] : memref<425984xi32, #tpu.memory_space<hbm>> -> memref<512xi32, #tpu.memory_space<hbm>>
    tpu.wait_dma2 semaphore(%arg12 : memref<!tpu.dma_semaphore, #tpu.memory_space<semaphore_mem>>) src(%dma_wait3A_366 : memref<512xi32, #tpu.memory_space<hbm>>) dst(%dma_wait3A_365 : memref<512xi32, #tpu.memory_space<vmem>>)
    %dma_wait3A_367 = arith.constant 4608 : i32
    %dma_wait3A_368 = tpu.memref_slice %arg7[%dma_wait3A_367] : memref<13312xi32, #tpu.memory_space<vmem>> -> memref<512xi32, #tpu.memory_space<vmem>>
    %dma_wait3A_369 = tpu.memref_slice %arg2[%add3A_22] : memref<425984xi32, #tpu.memory_space<hbm>> -> memref<512xi32, #tpu.memory_space<hbm>>
    %dma_wait3A_370 = arith.constant 4608 : i32
    %dma_wait3A_371 = tpu.memref_slice %arg7[%dma_wait3A_370] : memref<13312xi32, #tpu.memory_space<vmem>> -> memref<512xi32, #tpu.memory_space<vmem>>
    %dma_wait3A_372 = tpu.memref_slice %arg2[%add3A_22] : memref<425984xi32, #tpu.memory_space<hbm>> -> memref<512xi32, #tpu.memory_space<hbm>>
    tpu.wait_dma2 semaphore(%arg12 : memref<!tpu.dma_semaphore, #tpu.memory_space<semaphore_mem>>) src(%dma_wait3A_372 : memref<512xi32, #tpu.memory_space<hbm>>) dst(%dma_wait3A_371 : memref<512xi32, #tpu.memory_space<vmem>>)
    %dma_wait3A_373 = arith.constant 5120 : i32
    %dma_wait3A_374 = tpu.memref_slice %arg7[%dma_wait3A_373] : memref<13312xi32, #tpu.memory_space<vmem>> -> memref<512xi32, #tpu.memory_space<vmem>>
    %dma_wait3A_375 = tpu.memref_slice %arg2[%add3A_24] : memref<425984xi32, #tpu.memory_space<hbm>> -> memref<512xi32, #tpu.memory_space<hbm>>
    %dma_wait3A_376 = arith.constant 5120 : i32
    %dma_wait3A_377 = tpu.memref_slice %arg7[%dma_wait3A_376] : memref<13312xi32, #tpu.memory_space<vmem>> -> memref<512xi32, #tpu.memory_space<vmem>>
    %dma_wait3A_378 = tpu.memref_slice %arg2[%add3A_24] : memref<425984xi32, #tpu.memory_space<hbm>> -> memref<512xi32, #tpu.memory_space<hbm>>
    tpu.wait_dma2 semaphore(%arg12 : memref<!tpu.dma_semaphore, #tpu.memory_space<semaphore_mem>>) src(%dma_wait3A_378 : memref<512xi32, #tpu.memory_space<hbm>>) dst(%dma_wait3A_377 : memref<512xi32, #tpu.memory_space<vmem>>)
    %dma_wait3A_379 = arith.constant 5632 : i32
    %dma_wait3A_380 = tpu.memref_slice %arg7[%dma_wait3A_379] : memref<13312xi32, #tpu.memory_space<vmem>> -> memref<512xi32, #tpu.memory_space<vmem>>
    %dma_wait3A_381 = tpu.memref_slice %arg2[%add3A_26] : memref<425984xi32, #tpu.memory_space<hbm>> -> memref<512xi32, #tpu.memory_space<hbm>>
    %dma_wait3A_382 = arith.constant 5632 : i32
    %dma_wait3A_383 = tpu.memref_slice %arg7[%dma_wait3A_382] : memref<13312xi32, #tpu.memory_space<vmem>> -> memref<512xi32, #tpu.memory_space<vmem>>
    %dma_wait3A_384 = tpu.memref_slice %arg2[%add3A_26] : memref<425984xi32, #tpu.memory_space<hbm>> -> memref<512xi32, #tpu.memory_space<hbm>>
    tpu.wait_dma2 semaphore(%arg12 : memref<!tpu.dma_semaphore, #tpu.memory_space<semaphore_mem>>) src(%dma_wait3A_384 : memref<512xi32, #tpu.memory_space<hbm>>) dst(%dma_wait3A_383 : memref<512xi32, #tpu.memory_space<vmem>>)
    %dma_wait3A_385 = arith.constant 6144 : i32
    %dma_wait3A_386 = tpu.memref_slice %arg7[%dma_wait3A_385] : memref<13312xi32, #tpu.memory_space<vmem>> -> memref<512xi32, #tpu.memory_space<vmem>>
    %dma_wait3A_387 = tpu.memref_slice %arg2[%add3A_28] : memref<425984xi32, #tpu.memory_space<hbm>> -> memref<512xi32, #tpu.memory_space<hbm>>
    %dma_wait3A_388 = arith.constant 6144 : i32
    %dma_wait3A_389 = tpu.memref_slice %arg7[%dma_wait3A_388] : memref<13312xi32, #tpu.memory_space<vmem>> -> memref<512xi32, #tpu.memory_space<vmem>>
    %dma_wait3A_390 = tpu.memref_slice %arg2[%add3A_28] : memref<425984xi32, #tpu.memory_space<hbm>> -> memref<512xi32, #tpu.memory_space<hbm>>
    tpu.wait_dma2 semaphore(%arg12 : memref<!tpu.dma_semaphore, #tpu.memory_space<semaphore_mem>>) src(%dma_wait3A_390 : memref<512xi32, #tpu.memory_space<hbm>>) dst(%dma_wait3A_389 : memref<512xi32, #tpu.memory_space<vmem>>)
    %dma_wait3A_391 = arith.constant 6656 : i32
    %dma_wait3A_392 = tpu.memref_slice %arg7[%dma_wait3A_391] : memref<13312xi32, #tpu.memory_space<vmem>> -> memref<512xi32, #tpu.memory_space<vmem>>
    %dma_wait3A_393 = tpu.memref_slice %arg2[%add3A_30] : memref<425984xi32, #tpu.memory_space<hbm>> -> memref<512xi32, #tpu.memory_space<hbm>>
    %dma_wait3A_394 = arith.constant 6656 : i32
    %dma_wait3A_395 = tpu.memref_slice %arg7[%dma_wait3A_394] : memref<13312xi32, #tpu.memory_space<vmem>> -> memref<512xi32, #tpu.memory_space<vmem>>
    %dma_wait3A_396 = tpu.memref_slice %arg2[%add3A_30] : memref<425984xi32, #tpu.memory_space<hbm>> -> memref<512xi32, #tpu.memory_space<hbm>>
    tpu.wait_dma2 semaphore(%arg12 : memref<!tpu.dma_semaphore, #tpu.memory_space<semaphore_mem>>) src(%dma_wait3A_396 : memref<512xi32, #tpu.memory_space<hbm>>) dst(%dma_wait3A_395 : memref<512xi32, #tpu.memory_space<vmem>>)
    %dma_wait3A_397 = arith.constant 7168 : i32
    %dma_wait3A_398 = tpu.memref_slice %arg7[%dma_wait3A_397] : memref<13312xi32, #tpu.memory_space<vmem>> -> memref<512xi32, #tpu.memory_space<vmem>>
    %dma_wait3A_399 = tpu.memref_slice %arg2[%add3A_32] : memref<425984xi32, #tpu.memory_space<hbm>> -> memref<512xi32, #tpu.memory_space<hbm>>
    %dma_wait3A_400 = arith.constant 7168 : i32
    %dma_wait3A_401 = tpu.memref_slice %arg7[%dma_wait3A_400] : memref<13312xi32, #tpu.memory_space<vmem>> -> memref<512xi32, #tpu.memory_space<vmem>>
    %dma_wait3A_402 = tpu.memref_slice %arg2[%add3A_32] : memref<425984xi32, #tpu.memory_space<hbm>> -> memref<512xi32, #tpu.memory_space<hbm>>
    tpu.wait_dma2 semaphore(%arg12 : memref<!tpu.dma_semaphore, #tpu.memory_space<semaphore_mem>>) src(%dma_wait3A_402 : memref<512xi32, #tpu.memory_space<hbm>>) dst(%dma_wait3A_401 : memref<512xi32, #tpu.memory_space<vmem>>)
    %dma_wait3A_403 = arith.constant 7680 : i32
    %dma_wait3A_404 = tpu.memref_slice %arg7[%dma_wait3A_403] : memref<13312xi32, #tpu.memory_space<vmem>> -> memref<512xi32, #tpu.memory_space<vmem>>
    %dma_wait3A_405 = tpu.memref_slice %arg2[%add3A_34] : memref<425984xi32, #tpu.memory_space<hbm>> -> memref<512xi32, #tpu.memory_space<hbm>>
    %dma_wait3A_406 = arith.constant 7680 : i32
    %dma_wait3A_407 = tpu.memref_slice %arg7[%dma_wait3A_406] : memref<13312xi32, #tpu.memory_space<vmem>> -> memref<512xi32, #tpu.memory_space<vmem>>
    %dma_wait3A_408 = tpu.memref_slice %arg2[%add3A_34] : memref<425984xi32, #tpu.memory_space<hbm>> -> memref<512xi32, #tpu.memory_space<hbm>>
    tpu.wait_dma2 semaphore(%arg12 : memref<!tpu.dma_semaphore, #tpu.memory_space<semaphore_mem>>) src(%dma_wait3A_408 : memref<512xi32, #tpu.memory_space<hbm>>) dst(%dma_wait3A_407 : memref<512xi32, #tpu.memory_space<vmem>>)
    %dma_wait3A_409 = arith.constant 8192 : i32
    %dma_wait3A_410 = tpu.memref_slice %arg7[%dma_wait3A_409] : memref<13312xi32, #tpu.memory_space<vmem>> -> memref<512xi32, #tpu.memory_space<vmem>>
    %dma_wait3A_411 = tpu.memref_slice %arg2[%add3A_36] : memref<425984xi32, #tpu.memory_space<hbm>> -> memref<512xi32, #tpu.memory_space<hbm>>
    %dma_wait3A_412 = arith.constant 8192 : i32
    %dma_wait3A_413 = tpu.memref_slice %arg7[%dma_wait3A_412] : memref<13312xi32, #tpu.memory_space<vmem>> -> memref<512xi32, #tpu.memory_space<vmem>>
    %dma_wait3A_414 = tpu.memref_slice %arg2[%add3A_36] : memref<425984xi32, #tpu.memory_space<hbm>> -> memref<512xi32, #tpu.memory_space<hbm>>
    tpu.wait_dma2 semaphore(%arg12 : memref<!tpu.dma_semaphore, #tpu.memory_space<semaphore_mem>>) src(%dma_wait3A_414 : memref<512xi32, #tpu.memory_space<hbm>>) dst(%dma_wait3A_413 : memref<512xi32, #tpu.memory_space<vmem>>)
    %dma_wait3A_415 = arith.constant 8704 : i32
    %dma_wait3A_416 = tpu.memref_slice %arg7[%dma_wait3A_415] : memref<13312xi32, #tpu.memory_space<vmem>> -> memref<512xi32, #tpu.memory_space<vmem>>
    %dma_wait3A_417 = tpu.memref_slice %arg2[%add3A_38] : memref<425984xi32, #tpu.memory_space<hbm>> -> memref<512xi32, #tpu.memory_space<hbm>>
    %dma_wait3A_418 = arith.constant 8704 : i32
    %dma_wait3A_419 = tpu.memref_slice %arg7[%dma_wait3A_418] : memref<13312xi32, #tpu.memory_space<vmem>> -> memref<512xi32, #tpu.memory_space<vmem>>
    %dma_wait3A_420 = tpu.memref_slice %arg2[%add3A_38] : memref<425984xi32, #tpu.memory_space<hbm>> -> memref<512xi32, #tpu.memory_space<hbm>>
    tpu.wait_dma2 semaphore(%arg12 : memref<!tpu.dma_semaphore, #tpu.memory_space<semaphore_mem>>) src(%dma_wait3A_420 : memref<512xi32, #tpu.memory_space<hbm>>) dst(%dma_wait3A_419 : memref<512xi32, #tpu.memory_space<vmem>>)
    %dma_wait3A_421 = arith.constant 9216 : i32
    %dma_wait3A_422 = tpu.memref_slice %arg7[%dma_wait3A_421] : memref<13312xi32, #tpu.memory_space<vmem>> -> memref<512xi32, #tpu.memory_space<vmem>>
    %dma_wait3A_423 = tpu.memref_slice %arg2[%add3A_40] : memref<425984xi32, #tpu.memory_space<hbm>> -> memref<512xi32, #tpu.memory_space<hbm>>
    %dma_wait3A_424 = arith.constant 9216 : i32
    %dma_wait3A_425 = tpu.memref_slice %arg7[%dma_wait3A_424] : memref<13312xi32, #tpu.memory_space<vmem>> -> memref<512xi32, #tpu.memory_space<vmem>>
    %dma_wait3A_426 = tpu.memref_slice %arg2[%add3A_40] : memref<425984xi32, #tpu.memory_space<hbm>> -> memref<512xi32, #tpu.memory_space<hbm>>
    tpu.wait_dma2 semaphore(%arg12 : memref<!tpu.dma_semaphore, #tpu.memory_space<semaphore_mem>>) src(%dma_wait3A_426 : memref<512xi32, #tpu.memory_space<hbm>>) dst(%dma_wait3A_425 : memref<512xi32, #tpu.memory_space<vmem>>)
    %dma_wait3A_427 = arith.constant 9728 : i32
    %dma_wait3A_428 = tpu.memref_slice %arg7[%dma_wait3A_427] : memref<13312xi32, #tpu.memory_space<vmem>> -> memref<512xi32, #tpu.memory_space<vmem>>
    %dma_wait3A_429 = tpu.memref_slice %arg2[%add3A_42] : memref<425984xi32, #tpu.memory_space<hbm>> -> memref<512xi32, #tpu.memory_space<hbm>>
    %dma_wait3A_430 = arith.constant 9728 : i32
    %dma_wait3A_431 = tpu.memref_slice %arg7[%dma_wait3A_430] : memref<13312xi32, #tpu.memory_space<vmem>> -> memref<512xi32, #tpu.memory_space<vmem>>
    %dma_wait3A_432 = tpu.memref_slice %arg2[%add3A_42] : memref<425984xi32, #tpu.memory_space<hbm>> -> memref<512xi32, #tpu.memory_space<hbm>>
    tpu.wait_dma2 semaphore(%arg12 : memref<!tpu.dma_semaphore, #tpu.memory_space<semaphore_mem>>) src(%dma_wait3A_432 : memref<512xi32, #tpu.memory_space<hbm>>) dst(%dma_wait3A_431 : memref<512xi32, #tpu.memory_space<vmem>>)
    %dma_wait3A_433 = arith.constant 10240 : i32
    %dma_wait3A_434 = tpu.memref_slice %arg7[%dma_wait3A_433] : memref<13312xi32, #tpu.memory_space<vmem>> -> memref<512xi32, #tpu.memory_space<vmem>>
    %dma_wait3A_435 = tpu.memref_slice %arg2[%add3A_44] : memref<425984xi32, #tpu.memory_space<hbm>> -> memref<512xi32, #tpu.memory_space<hbm>>
    %dma_wait3A_436 = arith.constant 10240 : i32
    %dma_wait3A_437 = tpu.memref_slice %arg7[%dma_wait3A_436] : memref<13312xi32, #tpu.memory_space<vmem>> -> memref<512xi32, #tpu.memory_space<vmem>>
    %dma_wait3A_438 = tpu.memref_slice %arg2[%add3A_44] : memref<425984xi32, #tpu.memory_space<hbm>> -> memref<512xi32, #tpu.memory_space<hbm>>
    tpu.wait_dma2 semaphore(%arg12 : memref<!tpu.dma_semaphore, #tpu.memory_space<semaphore_mem>>) src(%dma_wait3A_438 : memref<512xi32, #tpu.memory_space<hbm>>) dst(%dma_wait3A_437 : memref<512xi32, #tpu.memory_space<vmem>>)
    %dma_wait3A_439 = arith.constant 10752 : i32
    %dma_wait3A_440 = tpu.memref_slice %arg7[%dma_wait3A_439] : memref<13312xi32, #tpu.memory_space<vmem>> -> memref<512xi32, #tpu.memory_space<vmem>>
    %dma_wait3A_441 = tpu.memref_slice %arg2[%add3A_46] : memref<425984xi32, #tpu.memory_space<hbm>> -> memref<512xi32, #tpu.memory_space<hbm>>
    %dma_wait3A_442 = arith.constant 10752 : i32
    %dma_wait3A_443 = tpu.memref_slice %arg7[%dma_wait3A_442] : memref<13312xi32, #tpu.memory_space<vmem>> -> memref<512xi32, #tpu.memory_space<vmem>>
    %dma_wait3A_444 = tpu.memref_slice %arg2[%add3A_46] : memref<425984xi32, #tpu.memory_space<hbm>> -> memref<512xi32, #tpu.memory_space<hbm>>
    tpu.wait_dma2 semaphore(%arg12 : memref<!tpu.dma_semaphore, #tpu.memory_space<semaphore_mem>>) src(%dma_wait3A_444 : memref<512xi32, #tpu.memory_space<hbm>>) dst(%dma_wait3A_443 : memref<512xi32, #tpu.memory_space<vmem>>)
    %dma_wait3A_445 = arith.constant 11264 : i32
    %dma_wait3A_446 = tpu.memref_slice %arg7[%dma_wait3A_445] : memref<13312xi32, #tpu.memory_space<vmem>> -> memref<512xi32, #tpu.memory_space<vmem>>
    %dma_wait3A_447 = tpu.memref_slice %arg2[%add3A_48] : memref<425984xi32, #tpu.memory_space<hbm>> -> memref<512xi32, #tpu.memory_space<hbm>>
    %dma_wait3A_448 = arith.constant 11264 : i32
    %dma_wait3A_449 = tpu.memref_slice %arg7[%dma_wait3A_448] : memref<13312xi32, #tpu.memory_space<vmem>> -> memref<512xi32, #tpu.memory_space<vmem>>
    %dma_wait3A_450 = tpu.memref_slice %arg2[%add3A_48] : memref<425984xi32, #tpu.memory_space<hbm>> -> memref<512xi32, #tpu.memory_space<hbm>>
    tpu.wait_dma2 semaphore(%arg12 : memref<!tpu.dma_semaphore, #tpu.memory_space<semaphore_mem>>) src(%dma_wait3A_450 : memref<512xi32, #tpu.memory_space<hbm>>) dst(%dma_wait3A_449 : memref<512xi32, #tpu.memory_space<vmem>>)
    %dma_wait3A_451 = arith.constant 11776 : i32
    %dma_wait3A_452 = tpu.memref_slice %arg7[%dma_wait3A_451] : memref<13312xi32, #tpu.memory_space<vmem>> -> memref<512xi32, #tpu.memory_space<vmem>>
    %dma_wait3A_453 = tpu.memref_slice %arg2[%add3A_50] : memref<425984xi32, #tpu.memory_space<hbm>> -> memref<512xi32, #tpu.memory_space<hbm>>
    %dma_wait3A_454 = arith.constant 11776 : i32
    %dma_wait3A_455 = tpu.memref_slice %arg7[%dma_wait3A_454] : memref<13312xi32, #tpu.memory_space<vmem>> -> memref<512xi32, #tpu.memory_space<vmem>>
    %dma_wait3A_456 = tpu.memref_slice %arg2[%add3A_50] : memref<425984xi32, #tpu.memory_space<hbm>> -> memref<512xi32, #tpu.memory_space<hbm>>
    tpu.wait_dma2 semaphore(%arg12 : memref<!tpu.dma_semaphore, #tpu.memory_space<semaphore_mem>>) src(%dma_wait3A_456 : memref<512xi32, #tpu.memory_space<hbm>>) dst(%dma_wait3A_455 : memref<512xi32, #tpu.memory_space<vmem>>)
    %dma_wait3A_457 = arith.constant 12288 : i32
    %dma_wait3A_458 = tpu.memref_slice %arg7[%dma_wait3A_457] : memref<13312xi32, #tpu.memory_space<vmem>> -> memref<512xi32, #tpu.memory_space<vmem>>
    %dma_wait3A_459 = tpu.memref_slice %arg2[%add3A_52] : memref<425984xi32, #tpu.memory_space<hbm>> -> memref<512xi32, #tpu.memory_space<hbm>>
    %dma_wait3A_460 = arith.constant 12288 : i32
    %dma_wait3A_461 = tpu.memref_slice %arg7[%dma_wait3A_460] : memref<13312xi32, #tpu.memory_space<vmem>> -> memref<512xi32, #tpu.memory_space<vmem>>
    %dma_wait3A_462 = tpu.memref_slice %arg2[%add3A_52] : memref<425984xi32, #tpu.memory_space<hbm>> -> memref<512xi32, #tpu.memory_space<hbm>>
    tpu.wait_dma2 semaphore(%arg12 : memref<!tpu.dma_semaphore, #tpu.memory_space<semaphore_mem>>) src(%dma_wait3A_462 : memref<512xi32, #tpu.memory_space<hbm>>) dst(%dma_wait3A_461 : memref<512xi32, #tpu.memory_space<vmem>>)
    %dma_wait3A_463 = arith.constant 12800 : i32
    %dma_wait3A_464 = tpu.memref_slice %arg7[%dma_wait3A_463] : memref<13312xi32, #tpu.memory_space<vmem>> -> memref<512xi32, #tpu.memory_space<vmem>>
    %dma_wait3A_465 = tpu.memref_slice %arg2[%add3A_54] : memref<425984xi32, #tpu.memory_space<hbm>> -> memref<512xi32, #tpu.memory_space<hbm>>
    %dma_wait3A_466 = arith.constant 12800 : i32
    %dma_wait3A_467 = tpu.memref_slice %arg7[%dma_wait3A_466] : memref<13312xi32, #tpu.memory_space<vmem>> -> memref<512xi32, #tpu.memory_space<vmem>>
    %dma_wait3A_468 = tpu.memref_slice %arg2[%add3A_54] : memref<425984xi32, #tpu.memory_space<hbm>> -> memref<512xi32, #tpu.memory_space<hbm>>
    tpu.wait_dma2 semaphore(%arg12 : memref<!tpu.dma_semaphore, #tpu.memory_space<semaphore_mem>>) src(%dma_wait3A_468 : memref<512xi32, #tpu.memory_space<hbm>>) dst(%dma_wait3A_467 : memref<512xi32, #tpu.memory_space<vmem>>)
    %dma_wait3A_469 = arith.constant 0 : i32
    %dma_wait3A_470 = tpu.memref_slice %arg9[%dma_wait3A_469] : memref<6656xf32, #tpu.memory_space<vmem>> -> memref<512xf32, #tpu.memory_space<vmem>>
    %dma_wait3A_471 = tpu.memref_slice %arg3[%add3A_56] : memref<212992xf32, #tpu.memory_space<hbm>> -> memref<512xf32, #tpu.memory_space<hbm>>
    %dma_wait3A_472 = arith.constant 0 : i32
    %dma_wait3A_473 = tpu.memref_slice %arg9[%dma_wait3A_472] : memref<6656xf32, #tpu.memory_space<vmem>> -> memref<512xf32, #tpu.memory_space<vmem>>
    %dma_wait3A_474 = tpu.memref_slice %arg3[%add3A_56] : memref<212992xf32, #tpu.memory_space<hbm>> -> memref<512xf32, #tpu.memory_space<hbm>>
    tpu.wait_dma2 semaphore(%arg12 : memref<!tpu.dma_semaphore, #tpu.memory_space<semaphore_mem>>) src(%dma_wait3A_474 : memref<512xf32, #tpu.memory_space<hbm>>) dst(%dma_wait3A_473 : memref<512xf32, #tpu.memory_space<vmem>>)
    %dma_wait3A_475 = arith.constant 512 : i32
    %dma_wait3A_476 = tpu.memref_slice %arg9[%dma_wait3A_475] : memref<6656xf32, #tpu.memory_space<vmem>> -> memref<512xf32, #tpu.memory_space<vmem>>
    %dma_wait3A_477 = tpu.memref_slice %arg3[%add3A_58] : memref<212992xf32, #tpu.memory_space<hbm>> -> memref<512xf32, #tpu.memory_space<hbm>>
    %dma_wait3A_478 = arith.constant 512 : i32
    %dma_wait3A_479 = tpu.memref_slice %arg9[%dma_wait3A_478] : memref<6656xf32, #tpu.memory_space<vmem>> -> memref<512xf32, #tpu.memory_space<vmem>>
    %dma_wait3A_480 = tpu.memref_slice %arg3[%add3A_58] : memref<212992xf32, #tpu.memory_space<hbm>> -> memref<512xf32, #tpu.memory_space<hbm>>
    tpu.wait_dma2 semaphore(%arg12 : memref<!tpu.dma_semaphore, #tpu.memory_space<semaphore_mem>>) src(%dma_wait3A_480 : memref<512xf32, #tpu.memory_space<hbm>>) dst(%dma_wait3A_479 : memref<512xf32, #tpu.memory_space<vmem>>)
    %dma_wait3A_481 = arith.constant 1024 : i32
    %dma_wait3A_482 = tpu.memref_slice %arg9[%dma_wait3A_481] : memref<6656xf32, #tpu.memory_space<vmem>> -> memref<512xf32, #tpu.memory_space<vmem>>
    %dma_wait3A_483 = tpu.memref_slice %arg3[%add3A_60] : memref<212992xf32, #tpu.memory_space<hbm>> -> memref<512xf32, #tpu.memory_space<hbm>>
    %dma_wait3A_484 = arith.constant 1024 : i32
    %dma_wait3A_485 = tpu.memref_slice %arg9[%dma_wait3A_484] : memref<6656xf32, #tpu.memory_space<vmem>> -> memref<512xf32, #tpu.memory_space<vmem>>
    %dma_wait3A_486 = tpu.memref_slice %arg3[%add3A_60] : memref<212992xf32, #tpu.memory_space<hbm>> -> memref<512xf32, #tpu.memory_space<hbm>>
    tpu.wait_dma2 semaphore(%arg12 : memref<!tpu.dma_semaphore, #tpu.memory_space<semaphore_mem>>) src(%dma_wait3A_486 : memref<512xf32, #tpu.memory_space<hbm>>) dst(%dma_wait3A_485 : memref<512xf32, #tpu.memory_space<vmem>>)
    %dma_wait3A_487 = arith.constant 1536 : i32
    %dma_wait3A_488 = tpu.memref_slice %arg9[%dma_wait3A_487] : memref<6656xf32, #tpu.memory_space<vmem>> -> memref<512xf32, #tpu.memory_space<vmem>>
    %dma_wait3A_489 = tpu.memref_slice %arg3[%add3A_62] : memref<212992xf32, #tpu.memory_space<hbm>> -> memref<512xf32, #tpu.memory_space<hbm>>
    %dma_wait3A_490 = arith.constant 1536 : i32
    %dma_wait3A_491 = tpu.memref_slice %arg9[%dma_wait3A_490] : memref<6656xf32, #tpu.memory_space<vmem>> -> memref<512xf32, #tpu.memory_space<vmem>>
    %dma_wait3A_492 = tpu.memref_slice %arg3[%add3A_62] : memref<212992xf32, #tpu.memory_space<hbm>> -> memref<512xf32, #tpu.memory_space<hbm>>
    tpu.wait_dma2 semaphore(%arg12 : memref<!tpu.dma_semaphore, #tpu.memory_space<semaphore_mem>>) src(%dma_wait3A_492 : memref<512xf32, #tpu.memory_space<hbm>>) dst(%dma_wait3A_491 : memref<512xf32, #tpu.memory_space<vmem>>)
    %dma_wait3A_493 = arith.constant 2048 : i32
    %dma_wait3A_494 = tpu.memref_slice %arg9[%dma_wait3A_493] : memref<6656xf32, #tpu.memory_space<vmem>> -> memref<512xf32, #tpu.memory_space<vmem>>
    %dma_wait3A_495 = tpu.memref_slice %arg3[%add3A_64] : memref<212992xf32, #tpu.memory_space<hbm>> -> memref<512xf32, #tpu.memory_space<hbm>>
    %dma_wait3A_496 = arith.constant 2048 : i32
    %dma_wait3A_497 = tpu.memref_slice %arg9[%dma_wait3A_496] : memref<6656xf32, #tpu.memory_space<vmem>> -> memref<512xf32, #tpu.memory_space<vmem>>
    %dma_wait3A_498 = tpu.memref_slice %arg3[%add3A_64] : memref<212992xf32, #tpu.memory_space<hbm>> -> memref<512xf32, #tpu.memory_space<hbm>>
    tpu.wait_dma2 semaphore(%arg12 : memref<!tpu.dma_semaphore, #tpu.memory_space<semaphore_mem>>) src(%dma_wait3A_498 : memref<512xf32, #tpu.memory_space<hbm>>) dst(%dma_wait3A_497 : memref<512xf32, #tpu.memory_space<vmem>>)
    %dma_wait3A_499 = arith.constant 2560 : i32
    %dma_wait3A_500 = tpu.memref_slice %arg9[%dma_wait3A_499] : memref<6656xf32, #tpu.memory_space<vmem>> -> memref<512xf32, #tpu.memory_space<vmem>>
    %dma_wait3A_501 = tpu.memref_slice %arg3[%add3A_66] : memref<212992xf32, #tpu.memory_space<hbm>> -> memref<512xf32, #tpu.memory_space<hbm>>
    %dma_wait3A_502 = arith.constant 2560 : i32
    %dma_wait3A_503 = tpu.memref_slice %arg9[%dma_wait3A_502] : memref<6656xf32, #tpu.memory_space<vmem>> -> memref<512xf32, #tpu.memory_space<vmem>>
    %dma_wait3A_504 = tpu.memref_slice %arg3[%add3A_66] : memref<212992xf32, #tpu.memory_space<hbm>> -> memref<512xf32, #tpu.memory_space<hbm>>
    tpu.wait_dma2 semaphore(%arg12 : memref<!tpu.dma_semaphore, #tpu.memory_space<semaphore_mem>>) src(%dma_wait3A_504 : memref<512xf32, #tpu.memory_space<hbm>>) dst(%dma_wait3A_503 : memref<512xf32, #tpu.memory_space<vmem>>)
    %dma_wait3A_505 = arith.constant 3072 : i32
    %dma_wait3A_506 = tpu.memref_slice %arg9[%dma_wait3A_505] : memref<6656xf32, #tpu.memory_space<vmem>> -> memref<512xf32, #tpu.memory_space<vmem>>
    %dma_wait3A_507 = tpu.memref_slice %arg3[%add3A_68] : memref<212992xf32, #tpu.memory_space<hbm>> -> memref<512xf32, #tpu.memory_space<hbm>>
    %dma_wait3A_508 = arith.constant 3072 : i32
    %dma_wait3A_509 = tpu.memref_slice %arg9[%dma_wait3A_508] : memref<6656xf32, #tpu.memory_space<vmem>> -> memref<512xf32, #tpu.memory_space<vmem>>
    %dma_wait3A_510 = tpu.memref_slice %arg3[%add3A_68] : memref<212992xf32, #tpu.memory_space<hbm>> -> memref<512xf32, #tpu.memory_space<hbm>>
    tpu.wait_dma2 semaphore(%arg12 : memref<!tpu.dma_semaphore, #tpu.memory_space<semaphore_mem>>) src(%dma_wait3A_510 : memref<512xf32, #tpu.memory_space<hbm>>) dst(%dma_wait3A_509 : memref<512xf32, #tpu.memory_space<vmem>>)
    %dma_wait3A_511 = arith.constant 3584 : i32
    %dma_wait3A_512 = tpu.memref_slice %arg9[%dma_wait3A_511] : memref<6656xf32, #tpu.memory_space<vmem>> -> memref<512xf32, #tpu.memory_space<vmem>>
    %dma_wait3A_513 = tpu.memref_slice %arg3[%add3A_70] : memref<212992xf32, #tpu.memory_space<hbm>> -> memref<512xf32, #tpu.memory_space<hbm>>
    %dma_wait3A_514 = arith.constant 3584 : i32
    %dma_wait3A_515 = tpu.memref_slice %arg9[%dma_wait3A_514] : memref<6656xf32, #tpu.memory_space<vmem>> -> memref<512xf32, #tpu.memory_space<vmem>>
    %dma_wait3A_516 = tpu.memref_slice %arg3[%add3A_70] : memref<212992xf32, #tpu.memory_space<hbm>> -> memref<512xf32, #tpu.memory_space<hbm>>
    tpu.wait_dma2 semaphore(%arg12 : memref<!tpu.dma_semaphore, #tpu.memory_space<semaphore_mem>>) src(%dma_wait3A_516 : memref<512xf32, #tpu.memory_space<hbm>>) dst(%dma_wait3A_515 : memref<512xf32, #tpu.memory_space<vmem>>)
    %dma_wait3A_517 = arith.constant 4096 : i32
    %dma_wait3A_518 = tpu.memref_slice %arg9[%dma_wait3A_517] : memref<6656xf32, #tpu.memory_space<vmem>> -> memref<512xf32, #tpu.memory_space<vmem>>
    %dma_wait3A_519 = tpu.memref_slice %arg3[%add3A_72] : memref<212992xf32, #tpu.memory_space<hbm>> -> memref<512xf32, #tpu.memory_space<hbm>>
    %dma_wait3A_520 = arith.constant 4096 : i32
    %dma_wait3A_521 = tpu.memref_slice %arg9[%dma_wait3A_520] : memref<6656xf32, #tpu.memory_space<vmem>> -> memref<512xf32, #tpu.memory_space<vmem>>
    %dma_wait3A_522 = tpu.memref_slice %arg3[%add3A_72] : memref<212992xf32, #tpu.memory_space<hbm>> -> memref<512xf32, #tpu.memory_space<hbm>>
    tpu.wait_dma2 semaphore(%arg12 : memref<!tpu.dma_semaphore, #tpu.memory_space<semaphore_mem>>) src(%dma_wait3A_522 : memref<512xf32, #tpu.memory_space<hbm>>) dst(%dma_wait3A_521 : memref<512xf32, #tpu.memory_space<vmem>>)
    %dma_wait3A_523 = arith.constant 4608 : i32
    %dma_wait3A_524 = tpu.memref_slice %arg9[%dma_wait3A_523] : memref<6656xf32, #tpu.memory_space<vmem>> -> memref<512xf32, #tpu.memory_space<vmem>>
    %dma_wait3A_525 = tpu.memref_slice %arg3[%add3A_74] : memref<212992xf32, #tpu.memory_space<hbm>> -> memref<512xf32, #tpu.memory_space<hbm>>
    %dma_wait3A_526 = arith.constant 4608 : i32
    %dma_wait3A_527 = tpu.memref_slice %arg9[%dma_wait3A_526] : memref<6656xf32, #tpu.memory_space<vmem>> -> memref<512xf32, #tpu.memory_space<vmem>>
    %dma_wait3A_528 = tpu.memref_slice %arg3[%add3A_74] : memref<212992xf32, #tpu.memory_space<hbm>> -> memref<512xf32, #tpu.memory_space<hbm>>
    tpu.wait_dma2 semaphore(%arg12 : memref<!tpu.dma_semaphore, #tpu.memory_space<semaphore_mem>>) src(%dma_wait3A_528 : memref<512xf32, #tpu.memory_space<hbm>>) dst(%dma_wait3A_527 : memref<512xf32, #tpu.memory_space<vmem>>)
    %dma_wait3A_529 = arith.constant 5120 : i32
    %dma_wait3A_530 = tpu.memref_slice %arg9[%dma_wait3A_529] : memref<6656xf32, #tpu.memory_space<vmem>> -> memref<512xf32, #tpu.memory_space<vmem>>
    %dma_wait3A_531 = tpu.memref_slice %arg3[%add3A_76] : memref<212992xf32, #tpu.memory_space<hbm>> -> memref<512xf32, #tpu.memory_space<hbm>>
    %dma_wait3A_532 = arith.constant 5120 : i32
    %dma_wait3A_533 = tpu.memref_slice %arg9[%dma_wait3A_532] : memref<6656xf32, #tpu.memory_space<vmem>> -> memref<512xf32, #tpu.memory_space<vmem>>
    %dma_wait3A_534 = tpu.memref_slice %arg3[%add3A_76] : memref<212992xf32, #tpu.memory_space<hbm>> -> memref<512xf32, #tpu.memory_space<hbm>>
    tpu.wait_dma2 semaphore(%arg12 : memref<!tpu.dma_semaphore, #tpu.memory_space<semaphore_mem>>) src(%dma_wait3A_534 : memref<512xf32, #tpu.memory_space<hbm>>) dst(%dma_wait3A_533 : memref<512xf32, #tpu.memory_space<vmem>>)
    %dma_wait3A_535 = arith.constant 5632 : i32
    %dma_wait3A_536 = tpu.memref_slice %arg9[%dma_wait3A_535] : memref<6656xf32, #tpu.memory_space<vmem>> -> memref<512xf32, #tpu.memory_space<vmem>>
    %dma_wait3A_537 = tpu.memref_slice %arg3[%add3A_78] : memref<212992xf32, #tpu.memory_space<hbm>> -> memref<512xf32, #tpu.memory_space<hbm>>
    %dma_wait3A_538 = arith.constant 5632 : i32
    %dma_wait3A_539 = tpu.memref_slice %arg9[%dma_wait3A_538] : memref<6656xf32, #tpu.memory_space<vmem>> -> memref<512xf32, #tpu.memory_space<vmem>>
    %dma_wait3A_540 = tpu.memref_slice %arg3[%add3A_78] : memref<212992xf32, #tpu.memory_space<hbm>> -> memref<512xf32, #tpu.memory_space<hbm>>
    tpu.wait_dma2 semaphore(%arg12 : memref<!tpu.dma_semaphore, #tpu.memory_space<semaphore_mem>>) src(%dma_wait3A_540 : memref<512xf32, #tpu.memory_space<hbm>>) dst(%dma_wait3A_539 : memref<512xf32, #tpu.memory_space<vmem>>)
    %dma_wait3A_541 = arith.constant 6144 : i32
    %dma_wait3A_542 = tpu.memref_slice %arg9[%dma_wait3A_541] : memref<6656xf32, #tpu.memory_space<vmem>> -> memref<512xf32, #tpu.memory_space<vmem>>
    %dma_wait3A_543 = tpu.memref_slice %arg3[%add3A_80] : memref<212992xf32, #tpu.memory_space<hbm>> -> memref<512xf32, #tpu.memory_space<hbm>>
    %dma_wait3A_544 = arith.constant 6144 : i32
    %dma_wait3A_545 = tpu.memref_slice %arg9[%dma_wait3A_544] : memref<6656xf32, #tpu.memory_space<vmem>> -> memref<512xf32, #tpu.memory_space<vmem>>
    %dma_wait3A_546 = tpu.memref_slice %arg3[%add3A_80] : memref<212992xf32, #tpu.memory_space<hbm>> -> memref<512xf32, #tpu.memory_space<hbm>>
    tpu.wait_dma2 semaphore(%arg12 : memref<!tpu.dma_semaphore, #tpu.memory_space<semaphore_mem>>) src(%dma_wait3A_546 : memref<512xf32, #tpu.memory_space<hbm>>) dst(%dma_wait3A_545 : memref<512xf32, #tpu.memory_space<vmem>>)
    tpu.wait_dma2 semaphore(%arg12 : memref<!tpu.dma_semaphore, #tpu.memory_space<semaphore_mem>>) src(%arg4 : memref<13x16xf32, #tpu.memory_space<hbm>>) dst(%arg10 : memref<13x16xf32, #tpu.memory_space<vmem>>)
    %scan3A = arith.constant 0 : i32
    %scan3A_547 = arith.constant 0 : i32
    %scan3A_548 = arith.constant 832 : i32
    %scan3A_549 = arith.addi %scan3A_547, %scan3A_548 : i32
    %scan3A_550 = arith.constant 4 : i32
    scf.for %scan3A_626 = %scan3A_547 to %scan3A_549 step %scan3A_550  : i32 {
      %mul3A_627 = arith.constant 16 : i32
      %mul3A_628 = arith.muli %scan3A_626, %mul3A_627 : i32
      %jit3A = arith.constant 32 : i32
      %div3A = arith.divsi %scan3A_626, %jit3A : i32
      %sign3A = arith.constant 0 : i32
      %sign3A_629 = arith.cmpi sgt, %scan3A_626, %sign3A : i32
      %sign3A_630 = arith.extui %sign3A_629 : i1 to i32
      %sign3A_631 = arith.constant 0 : i32
      %sign3A_632 = arith.cmpi slt, %scan3A_626, %sign3A_631 : i32
      %sign3A_633 = arith.extui %sign3A_632 : i1 to i32
      %sign3A_634 = arith.subi %sign3A_630, %sign3A_633 : i32
      %sign3A_635 = arith.constant 0 : i32
      %sign3A_636 = arith.cmpi sgt, %jit3A, %sign3A_635 : i32
      %sign3A_637 = arith.extui %sign3A_636 : i1 to i32
      %sign3A_638 = arith.constant 0 : i32
      %sign3A_639 = arith.cmpi slt, %jit3A, %sign3A_638 : i32
      %sign3A_640 = arith.extui %sign3A_639 : i1 to i32
      %sign3A_641 = arith.subi %sign3A_637, %sign3A_640 : i32
      %ne3A = arith.cmpi ne, %sign3A_634, %sign3A_641 : i32
      %rem3A = arith.remsi %scan3A_626, %jit3A : i32
      %ne3A_642 = arith.constant 0 : i32
      %ne3A_643 = arith.cmpi ne, %rem3A, %ne3A_642 : i32
      %and3A = arith.andi %ne3A, %ne3A_643 : i1
      %sub3A = arith.constant 1 : i32
      %sub3A_644 = arith.subi %div3A, %sub3A : i32
      %select_n3A = arith.select %and3A, %sub3A_644, %div3A : i32
      %mul3A_645 = arith.constant 100000 : i32
      %mul3A_646 = arith.muli %select_n3A, %mul3A_645 : i32
      %get3A_647 = arith.index_cast %mul3A_628 : i32 to index
      %get3A_648 = tpu.vector_load %arg7[%get3A_647] {strides = array<i32>} : memref<13312xi32, #tpu.memory_space<vmem>>, vector<16xi32>,
      %get3A_649 = vector.shape_cast %get3A_648 : vector<16xi32> to vector<16xi32>
      %add3A_650 = vector.broadcast %mul3A_646 : i32 to vector<16xi32>
      %add3A_651 = arith.addi %get3A_649, %add3A_650 : vector<16xi32>
      %swap3A = arith.index_cast %mul3A_628 : i32 to index
      %swap3A_652 = tpu.vector_load %arg7[%swap3A] {strides = array<i32>} : memref<13312xi32, #tpu.memory_space<vmem>>, vector<16xi32>,
      %swap3A_653 = vector.shape_cast %swap3A_652 : vector<16xi32> to vector<16xi32>
      %swap3A_654 = vector.shape_cast %add3A_651 : vector<16xi32> to vector<16xi32>
      tpu.vector_store %arg7[%swap3A], %swap3A_654 {strides = array<i32>} : memref<13312xi32, #tpu.memory_space<vmem>>, vector<16xi32>,
      %scan3A_655 = arith.constant 1 : i32
      %scan3A_656 = arith.addi %scan3A_626, %scan3A_655 : i32
      %mul3A_657 = arith.constant 16 : i32
      %mul3A_658 = arith.muli %scan3A_656, %mul3A_657 : i32
      %jit3A_659 = arith.constant 32 : i32
      %div3A_660 = arith.divsi %scan3A_656, %jit3A_659 : i32
      %sign3A_661 = arith.constant 0 : i32
      %sign3A_662 = arith.cmpi sgt, %scan3A_656, %sign3A_661 : i32
      %sign3A_663 = arith.extui %sign3A_662 : i1 to i32
      %sign3A_664 = arith.constant 0 : i32
      %sign3A_665 = arith.cmpi slt, %scan3A_656, %sign3A_664 : i32
      %sign3A_666 = arith.extui %sign3A_665 : i1 to i32
      %sign3A_667 = arith.subi %sign3A_663, %sign3A_666 : i32
      %sign3A_668 = arith.constant 0 : i32
      %sign3A_669 = arith.cmpi sgt, %jit3A_659, %sign3A_668 : i32
      %sign3A_670 = arith.extui %sign3A_669 : i1 to i32
      %sign3A_671 = arith.constant 0 : i32
      %sign3A_672 = arith.cmpi slt, %jit3A_659, %sign3A_671 : i32
      %sign3A_673 = arith.extui %sign3A_672 : i1 to i32
      %sign3A_674 = arith.subi %sign3A_670, %sign3A_673 : i32
      %ne3A_675 = arith.cmpi ne, %sign3A_667, %sign3A_674 : i32
      %rem3A_676 = arith.remsi %scan3A_656, %jit3A_659 : i32
      %ne3A_677 = arith.constant 0 : i32
      %ne3A_678 = arith.cmpi ne, %rem3A_676, %ne3A_677 : i32
      %and3A_679 = arith.andi %ne3A_675, %ne3A_678 : i1
      %sub3A_680 = arith.constant 1 : i32
      %sub3A_681 = arith.subi %div3A_660, %sub3A_680 : i32
      %select_n3A_682 = arith.select %and3A_679, %sub3A_681, %div3A_660 : i32
      %mul3A_683 = arith.constant 100000 : i32
      %mul3A_684 = arith.muli %select_n3A_682, %mul3A_683 : i32
      %get3A_685 = arith.index_cast %mul3A_658 : i32 to index
      %get3A_686 = tpu.vector_load %arg7[%get3A_685] {strides = array<i32>} : memref<13312xi32, #tpu.memory_space<vmem>>, vector<16xi32>,
      %get3A_687 = vector.shape_cast %get3A_686 : vector<16xi32> to vector<16xi32>
      %add3A_688 = vector.broadcast %mul3A_684 : i32 to vector<16xi32>
      %add3A_689 = arith.addi %get3A_687, %add3A_688 : vector<16xi32>
      %swap3A_690 = arith.index_cast %mul3A_658 : i32 to index
      %swap3A_691 = tpu.vector_load %arg7[%swap3A_690] {strides = array<i32>} : memref<13312xi32, #tpu.memory_space<vmem>>, vector<16xi32>,
      %swap3A_692 = vector.shape_cast %swap3A_691 : vector<16xi32> to vector<16xi32>
      %swap3A_693 = vector.shape_cast %add3A_689 : vector<16xi32> to vector<16xi32>
      tpu.vector_store %arg7[%swap3A_690], %swap3A_693 {strides = array<i32>} : memref<13312xi32, #tpu.memory_space<vmem>>, vector<16xi32>,
      %scan3A_694 = arith.constant 2 : i32
      %scan3A_695 = arith.addi %scan3A_626, %scan3A_694 : i32
      %mul3A_696 = arith.constant 16 : i32
      %mul3A_697 = arith.muli %scan3A_695, %mul3A_696 : i32
      %jit3A_698 = arith.constant 32 : i32
      %div3A_699 = arith.divsi %scan3A_695, %jit3A_698 : i32
      %sign3A_700 = arith.constant 0 : i32
      %sign3A_701 = arith.cmpi sgt, %scan3A_695, %sign3A_700 : i32
      %sign3A_702 = arith.extui %sign3A_701 : i1 to i32
      %sign3A_703 = arith.constant 0 : i32
      %sign3A_704 = arith.cmpi slt, %scan3A_695, %sign3A_703 : i32
      %sign3A_705 = arith.extui %sign3A_704 : i1 to i32
      %sign3A_706 = arith.subi %sign3A_702, %sign3A_705 : i32
      %sign3A_707 = arith.constant 0 : i32
      %sign3A_708 = arith.cmpi sgt, %jit3A_698, %sign3A_707 : i32
      %sign3A_709 = arith.extui %sign3A_708 : i1 to i32
      %sign3A_710 = arith.constant 0 : i32
      %sign3A_711 = arith.cmpi slt, %jit3A_698, %sign3A_710 : i32
      %sign3A_712 = arith.extui %sign3A_711 : i1 to i32
      %sign3A_713 = arith.subi %sign3A_709, %sign3A_712 : i32
      %ne3A_714 = arith.cmpi ne, %sign3A_706, %sign3A_713 : i32
      %rem3A_715 = arith.remsi %scan3A_695, %jit3A_698 : i32
      %ne3A_716 = arith.constant 0 : i32
      %ne3A_717 = arith.cmpi ne, %rem3A_715, %ne3A_716 : i32
      %and3A_718 = arith.andi %ne3A_714, %ne3A_717 : i1
      %sub3A_719 = arith.constant 1 : i32
      %sub3A_720 = arith.subi %div3A_699, %sub3A_719 : i32
      %select_n3A_721 = arith.select %and3A_718, %sub3A_720, %div3A_699 : i32
      %mul3A_722 = arith.constant 100000 : i32
      %mul3A_723 = arith.muli %select_n3A_721, %mul3A_722 : i32
      %get3A_724 = arith.index_cast %mul3A_697 : i32 to index
      %get3A_725 = tpu.vector_load %arg7[%get3A_724] {strides = array<i32>} : memref<13312xi32, #tpu.memory_space<vmem>>, vector<16xi32>,
      %get3A_726 = vector.shape_cast %get3A_725 : vector<16xi32> to vector<16xi32>
      %add3A_727 = vector.broadcast %mul3A_723 : i32 to vector<16xi32>
      %add3A_728 = arith.addi %get3A_726, %add3A_727 : vector<16xi32>
      %swap3A_729 = arith.index_cast %mul3A_697 : i32 to index
      %swap3A_730 = tpu.vector_load %arg7[%swap3A_729] {strides = array<i32>} : memref<13312xi32, #tpu.memory_space<vmem>>, vector<16xi32>,
      %swap3A_731 = vector.shape_cast %swap3A_730 : vector<16xi32> to vector<16xi32>
      %swap3A_732 = vector.shape_cast %add3A_728 : vector<16xi32> to vector<16xi32>
      tpu.vector_store %arg7[%swap3A_729], %swap3A_732 {strides = array<i32>} : memref<13312xi32, #tpu.memory_space<vmem>>, vector<16xi32>,
      %scan3A_733 = arith.constant 3 : i32
      %scan3A_734 = arith.addi %scan3A_626, %scan3A_733 : i32
      %mul3A_735 = arith.constant 16 : i32
      %mul3A_736 = arith.muli %scan3A_734, %mul3A_735 : i32
      %jit3A_737 = arith.constant 32 : i32
      %div3A_738 = arith.divsi %scan3A_734, %jit3A_737 : i32
      %sign3A_739 = arith.constant 0 : i32
      %sign3A_740 = arith.cmpi sgt, %scan3A_734, %sign3A_739 : i32
      %sign3A_741 = arith.extui %sign3A_740 : i1 to i32
      %sign3A_742 = arith.constant 0 : i32
      %sign3A_743 = arith.cmpi slt, %scan3A_734, %sign3A_742 : i32
      %sign3A_744 = arith.extui %sign3A_743 : i1 to i32
      %sign3A_745 = arith.subi %sign3A_741, %sign3A_744 : i32
      %sign3A_746 = arith.constant 0 : i32
      %sign3A_747 = arith.cmpi sgt, %jit3A_737, %sign3A_746 : i32
      %sign3A_748 = arith.extui %sign3A_747 : i1 to i32
      %sign3A_749 = arith.constant 0 : i32
      %sign3A_750 = arith.cmpi slt, %jit3A_737, %sign3A_749 : i32
      %sign3A_751 = arith.extui %sign3A_750 : i1 to i32
      %sign3A_752 = arith.subi %sign3A_748, %sign3A_751 : i32
      %ne3A_753 = arith.cmpi ne, %sign3A_745, %sign3A_752 : i32
      %rem3A_754 = arith.remsi %scan3A_734, %jit3A_737 : i32
      %ne3A_755 = arith.constant 0 : i32
      %ne3A_756 = arith.cmpi ne, %rem3A_754, %ne3A_755 : i32
      %and3A_757 = arith.andi %ne3A_753, %ne3A_756 : i1
      %sub3A_758 = arith.constant 1 : i32
      %sub3A_759 = arith.subi %div3A_738, %sub3A_758 : i32
      %select_n3A_760 = arith.select %and3A_757, %sub3A_759, %div3A_738 : i32
      %mul3A_761 = arith.constant 100000 : i32
      %mul3A_762 = arith.muli %select_n3A_760, %mul3A_761 : i32
      %get3A_763 = arith.index_cast %mul3A_736 : i32 to index
      %get3A_764 = tpu.vector_load %arg7[%get3A_763] {strides = array<i32>} : memref<13312xi32, #tpu.memory_space<vmem>>, vector<16xi32>,
      %get3A_765 = vector.shape_cast %get3A_764 : vector<16xi32> to vector<16xi32>
      %add3A_766 = vector.broadcast %mul3A_762 : i32 to vector<16xi32>
      %add3A_767 = arith.addi %get3A_765, %add3A_766 : vector<16xi32>
      %swap3A_768 = arith.index_cast %mul3A_736 : i32 to index
      %swap3A_769 = tpu.vector_load %arg7[%swap3A_768] {strides = array<i32>} : memref<13312xi32, #tpu.memory_space<vmem>>, vector<16xi32>,
      %swap3A_770 = vector.shape_cast %swap3A_769 : vector<16xi32> to vector<16xi32>
      %swap3A_771 = vector.shape_cast %add3A_767 : vector<16xi32> to vector<16xi32>
      tpu.vector_store %arg7[%swap3A_768], %swap3A_771 {strides = array<i32>} : memref<13312xi32, #tpu.memory_space<vmem>>, vector<16xi32>,
    }
    %scan3A_551 = arith.constant 832 : i32
    %dma_start3A_552 = arith.constant 0 : i32
    %dma_start3A_553 = tpu.memref_slice %arg5[%dma_start3A_552] : memref<2600000xf32, #tpu.memory_space<hbm>> -> memref<2600000xf32, #tpu.memory_space<hbm>>
    tpu.enqueue_indirect_dma source(%dma_start3A_553 : memref<2600000xf32, #tpu.memory_space<hbm>>) target(%arg8 : memref<13312xf32, #tpu.memory_space<vmem>>) offsets(%arg7 : memref<13312xi32, #tpu.memory_space<vmem>>) semaphore(%arg12 : memref<!tpu.dma_semaphore, #tpu.memory_space<semaphore_mem>>)
    %dma_wait3A_554 = arith.constant 0 : i32
    %dma_wait3A_555 = tpu.memref_slice %arg5[%dma_wait3A_554] : memref<2600000xf32, #tpu.memory_space<hbm>> -> memref<2600000xf32, #tpu.memory_space<hbm>>
    tpu.wait_indirect_dma semaphore(%arg12 : memref<!tpu.dma_semaphore, #tpu.memory_space<semaphore_mem>>) src(%dma_wait3A_555 : memref<2600000xf32, #tpu.memory_space<hbm>>) dst(%arg8 : memref<13312xf32, #tpu.memory_space<vmem>>)
    %get3A = arith.constant 0 : i32
    %get3A_556 = arith.index_cast %get3A : i32 to index
    %get3A_557 = arith.constant 0 : index
    %get3A_558 = tpu.vector_load %arg10[%get3A_556, %get3A_557] {strides = array<i32>} : memref<13x16xf32, #tpu.memory_space<vmem>>, vector<1x16xf32>,
    %get3A_559 = vector.shape_cast %get3A_558 : vector<1x16xf32> to vector<16xf32>
    %get3A_560 = arith.constant 1 : i32
    %get3A_561 = arith.index_cast %get3A_560 : i32 to index
    %get3A_562 = arith.constant 0 : index
    %get3A_563 = tpu.vector_load %arg10[%get3A_561, %get3A_562] {strides = array<i32>} : memref<13x16xf32, #tpu.memory_space<vmem>>, vector<1x16xf32>,
    %get3A_564 = vector.shape_cast %get3A_563 : vector<1x16xf32> to vector<16xf32>
    %get3A_565 = arith.constant 2 : i32
    %get3A_566 = arith.index_cast %get3A_565 : i32 to index
    %get3A_567 = arith.constant 0 : index
    %get3A_568 = tpu.vector_load %arg10[%get3A_566, %get3A_567] {strides = array<i32>} : memref<13x16xf32, #tpu.memory_space<vmem>>, vector<1x16xf32>,
    %get3A_569 = vector.shape_cast %get3A_568 : vector<1x16xf32> to vector<16xf32>
    %get3A_570 = arith.constant 3 : i32
    %get3A_571 = arith.index_cast %get3A_570 : i32 to index
    %get3A_572 = arith.constant 0 : index
    %get3A_573 = tpu.vector_load %arg10[%get3A_571, %get3A_572] {strides = array<i32>} : memref<13x16xf32, #tpu.memory_space<vmem>>, vector<1x16xf32>,
    %get3A_574 = vector.shape_cast %get3A_573 : vector<1x16xf32> to vector<16xf32>
    %get3A_575 = arith.constant 4 : i32
    %get3A_576 = arith.index_cast %get3A_575 : i32 to index
    %get3A_577 = arith.constant 0 : index
    %get3A_578 = tpu.vector_load %arg10[%get3A_576, %get3A_577] {strides = array<i32>} : memref<13x16xf32, #tpu.memory_space<vmem>>, vector<1x16xf32>,
    %get3A_579 = vector.shape_cast %get3A_578 : vector<1x16xf32> to vector<16xf32>
    %get3A_580 = arith.constant 5 : i32
    %get3A_581 = arith.index_cast %get3A_580 : i32 to index
    %get3A_582 = arith.constant 0 : index
    %get3A_583 = tpu.vector_load %arg10[%get3A_581, %get3A_582] {strides = array<i32>} : memref<13x16xf32, #tpu.memory_space<vmem>>, vector<1x16xf32>,
    %get3A_584 = vector.shape_cast %get3A_583 : vector<1x16xf32> to vector<16xf32>
    %get3A_585 = arith.constant 6 : i32
    %get3A_586 = arith.index_cast %get3A_585 : i32 to index
    %get3A_587 = arith.constant 0 : index
    %get3A_588 = tpu.vector_load %arg10[%get3A_586, %get3A_587] {strides = array<i32>} : memref<13x16xf32, #tpu.memory_space<vmem>>, vector<1x16xf32>,
    %get3A_589 = vector.shape_cast %get3A_588 : vector<1x16xf32> to vector<16xf32>
    %get3A_590 = arith.constant 7 : i32
    %get3A_591 = arith.index_cast %get3A_590 : i32 to index
    %get3A_592 = arith.constant 0 : index
    %get3A_593 = tpu.vector_load %arg10[%get3A_591, %get3A_592] {strides = array<i32>} : memref<13x16xf32, #tpu.memory_space<vmem>>, vector<1x16xf32>,
    %get3A_594 = vector.shape_cast %get3A_593 : vector<1x16xf32> to vector<16xf32>
    %get3A_595 = arith.constant 8 : i32
    %get3A_596 = arith.index_cast %get3A_595 : i32 to index
    %get3A_597 = arith.constant 0 : index
    %get3A_598 = tpu.vector_load %arg10[%get3A_596, %get3A_597] {strides = array<i32>} : memref<13x16xf32, #tpu.memory_space<vmem>>, vector<1x16xf32>,
    %get3A_599 = vector.shape_cast %get3A_598 : vector<1x16xf32> to vector<16xf32>
    %get3A_600 = arith.constant 9 : i32
    %get3A_601 = arith.index_cast %get3A_600 : i32 to index
    %get3A_602 = arith.constant 0 : index
    %get3A_603 = tpu.vector_load %arg10[%get3A_601, %get3A_602] {strides = array<i32>} : memref<13x16xf32, #tpu.memory_space<vmem>>, vector<1x16xf32>,
    %get3A_604 = vector.shape_cast %get3A_603 : vector<1x16xf32> to vector<16xf32>
    %get3A_605 = arith.constant 10 : i32
    %get3A_606 = arith.index_cast %get3A_605 : i32 to index
    %get3A_607 = arith.constant 0 : index
    %get3A_608 = tpu.vector_load %arg10[%get3A_606, %get3A_607] {strides = array<i32>} : memref<13x16xf32, #tpu.memory_space<vmem>>, vector<1x16xf32>,
    %get3A_609 = vector.shape_cast %get3A_608 : vector<1x16xf32> to vector<16xf32>
    %get3A_610 = arith.constant 11 : i32
    %get3A_611 = arith.index_cast %get3A_610 : i32 to index
    %get3A_612 = arith.constant 0 : index
    %get3A_613 = tpu.vector_load %arg10[%get3A_611, %get3A_612] {strides = array<i32>} : memref<13x16xf32, #tpu.memory_space<vmem>>, vector<1x16xf32>,
    %get3A_614 = vector.shape_cast %get3A_613 : vector<1x16xf32> to vector<16xf32>
    %get3A_615 = arith.constant 12 : i32
    %get3A_616 = arith.index_cast %get3A_615 : i32 to index
    %get3A_617 = arith.constant 0 : index
    %get3A_618 = tpu.vector_load %arg10[%get3A_616, %get3A_617] {strides = array<i32>} : memref<13x16xf32, #tpu.memory_space<vmem>>, vector<1x16xf32>,
    %get3A_619 = vector.shape_cast %get3A_618 : vector<1x16xf32> to vector<16xf32>
    %scan3A_620 = arith.constant 0 : i32
    %scan3A_621 = arith.constant 0 : i32
    %scan3A_622 = arith.constant 32 : i32
    %scan3A_623 = arith.addi %scan3A_621, %scan3A_622 : i32
    %scan3A_624 = arith.constant 2 : i32
    scf.for %scan3A_626 = %scan3A_621 to %scan3A_623 step %scan3A_624  : i32 {
      %mul3A_627 = arith.constant 16 : i32
      %mul3A_628 = arith.muli %scan3A_626, %mul3A_627 : i32
      %get3A_629 = arith.index_cast %mul3A_628 : i32 to index
      %get3A_630 = tpu.vector_load %arg8[%get3A_629] {strides = array<i32>} : memref<13312xf32, #tpu.memory_space<vmem>>, vector<16xf32>,
      %get3A_631 = vector.shape_cast %get3A_630 : vector<16xf32> to vector<16xf32>
      %mul3A_632 = arith.constant 16 : i32
      %mul3A_633 = arith.muli %scan3A_626, %mul3A_632 : i32
      %add3A_634 = arith.constant 512 : i32
      %add3A_635 = arith.addi %add3A_634, %mul3A_633 : i32
      %get3A_636 = arith.index_cast %add3A_635 : i32 to index
      %get3A_637 = tpu.vector_load %arg8[%get3A_636] {strides = array<i32>} : memref<13312xf32, #tpu.memory_space<vmem>>, vector<16xf32>,
      %get3A_638 = vector.shape_cast %get3A_637 : vector<16xf32> to vector<16xf32>
      %add3A_639 = arith.addf %get3A_631, %get3A_638 : vector<16xf32>
      %mul3A_640 = arith.constant 16 : i32
      %mul3A_641 = arith.muli %scan3A_626, %mul3A_640 : i32
      %add3A_642 = arith.constant 1024 : i32
      %add3A_643 = arith.addi %add3A_642, %mul3A_641 : i32
      %get3A_644 = arith.index_cast %add3A_643 : i32 to index
      %get3A_645 = tpu.vector_load %arg8[%get3A_644] {strides = array<i32>} : memref<13312xf32, #tpu.memory_space<vmem>>, vector<16xf32>,
      %get3A_646 = vector.shape_cast %get3A_645 : vector<16xf32> to vector<16xf32>
      %add3A_647 = arith.addf %add3A_639, %get3A_646 : vector<16xf32>
      %mul3A_648 = arith.constant 16 : i32
      %mul3A_649 = arith.muli %scan3A_626, %mul3A_648 : i32
      %add3A_650 = arith.constant 1536 : i32
      %add3A_651 = arith.addi %add3A_650, %mul3A_649 : i32
      %get3A_652 = arith.index_cast %add3A_651 : i32 to index
      %get3A_653 = tpu.vector_load %arg8[%get3A_652] {strides = array<i32>} : memref<13312xf32, #tpu.memory_space<vmem>>, vector<16xf32>,
      %get3A_654 = vector.shape_cast %get3A_653 : vector<16xf32> to vector<16xf32>
      %add3A_655 = arith.addf %add3A_647, %get3A_654 : vector<16xf32>
      %mul3A_656 = arith.constant 16 : i32
      %mul3A_657 = arith.muli %scan3A_626, %mul3A_656 : i32
      %add3A_658 = arith.constant 2048 : i32
      %add3A_659 = arith.addi %add3A_658, %mul3A_657 : i32
      %get3A_660 = arith.index_cast %add3A_659 : i32 to index
      %get3A_661 = tpu.vector_load %arg8[%get3A_660] {strides = array<i32>} : memref<13312xf32, #tpu.memory_space<vmem>>, vector<16xf32>,
      %get3A_662 = vector.shape_cast %get3A_661 : vector<16xf32> to vector<16xf32>
      %add3A_663 = arith.addf %add3A_655, %get3A_662 : vector<16xf32>
      %mul3A_664 = arith.constant 16 : i32
      %mul3A_665 = arith.muli %scan3A_626, %mul3A_664 : i32
      %add3A_666 = arith.constant 2560 : i32
      %add3A_667 = arith.addi %add3A_666, %mul3A_665 : i32
      %get3A_668 = arith.index_cast %add3A_667 : i32 to index
      %get3A_669 = tpu.vector_load %arg8[%get3A_668] {strides = array<i32>} : memref<13312xf32, #tpu.memory_space<vmem>>, vector<16xf32>,
      %get3A_670 = vector.shape_cast %get3A_669 : vector<16xf32> to vector<16xf32>
      %add3A_671 = arith.addf %add3A_663, %get3A_670 : vector<16xf32>
      %mul3A_672 = arith.constant 16 : i32
      %mul3A_673 = arith.muli %scan3A_626, %mul3A_672 : i32
      %add3A_674 = arith.constant 3072 : i32
      %add3A_675 = arith.addi %add3A_674, %mul3A_673 : i32
      %get3A_676 = arith.index_cast %add3A_675 : i32 to index
      %get3A_677 = tpu.vector_load %arg8[%get3A_676] {strides = array<i32>} : memref<13312xf32, #tpu.memory_space<vmem>>, vector<16xf32>,
      %get3A_678 = vector.shape_cast %get3A_677 : vector<16xf32> to vector<16xf32>
      %add3A_679 = arith.addf %add3A_671, %get3A_678 : vector<16xf32>
      %mul3A_680 = arith.constant 16 : i32
      %mul3A_681 = arith.muli %scan3A_626, %mul3A_680 : i32
      %add3A_682 = arith.constant 3584 : i32
      %add3A_683 = arith.addi %add3A_682, %mul3A_681 : i32
      %get3A_684 = arith.index_cast %add3A_683 : i32 to index
      %get3A_685 = tpu.vector_load %arg8[%get3A_684] {strides = array<i32>} : memref<13312xf32, #tpu.memory_space<vmem>>, vector<16xf32>,
      %get3A_686 = vector.shape_cast %get3A_685 : vector<16xf32> to vector<16xf32>
      %add3A_687 = arith.addf %add3A_679, %get3A_686 : vector<16xf32>
      %mul3A_688 = arith.constant 16 : i32
      %mul3A_689 = arith.muli %scan3A_626, %mul3A_688 : i32
      %add3A_690 = arith.constant 4096 : i32
      %add3A_691 = arith.addi %add3A_690, %mul3A_689 : i32
      %get3A_692 = arith.index_cast %add3A_691 : i32 to index
      %get3A_693 = tpu.vector_load %arg8[%get3A_692] {strides = array<i32>} : memref<13312xf32, #tpu.memory_space<vmem>>, vector<16xf32>,
      %get3A_694 = vector.shape_cast %get3A_693 : vector<16xf32> to vector<16xf32>
      %add3A_695 = arith.addf %add3A_687, %get3A_694 : vector<16xf32>
      %mul3A_696 = arith.constant 16 : i32
      %mul3A_697 = arith.muli %scan3A_626, %mul3A_696 : i32
      %add3A_698 = arith.constant 4608 : i32
      %add3A_699 = arith.addi %add3A_698, %mul3A_697 : i32
      %get3A_700 = arith.index_cast %add3A_699 : i32 to index
      %get3A_701 = tpu.vector_load %arg8[%get3A_700] {strides = array<i32>} : memref<13312xf32, #tpu.memory_space<vmem>>, vector<16xf32>,
      %get3A_702 = vector.shape_cast %get3A_701 : vector<16xf32> to vector<16xf32>
      %add3A_703 = arith.addf %add3A_695, %get3A_702 : vector<16xf32>
      %mul3A_704 = arith.constant 16 : i32
      %mul3A_705 = arith.muli %scan3A_626, %mul3A_704 : i32
      %add3A_706 = arith.constant 5120 : i32
      %add3A_707 = arith.addi %add3A_706, %mul3A_705 : i32
      %get3A_708 = arith.index_cast %add3A_707 : i32 to index
      %get3A_709 = tpu.vector_load %arg8[%get3A_708] {strides = array<i32>} : memref<13312xf32, #tpu.memory_space<vmem>>, vector<16xf32>,
      %get3A_710 = vector.shape_cast %get3A_709 : vector<16xf32> to vector<16xf32>
      %add3A_711 = arith.addf %add3A_703, %get3A_710 : vector<16xf32>
      %mul3A_712 = arith.constant 16 : i32
      %mul3A_713 = arith.muli %scan3A_626, %mul3A_712 : i32
      %add3A_714 = arith.constant 5632 : i32
      %add3A_715 = arith.addi %add3A_714, %mul3A_713 : i32
      %get3A_716 = arith.index_cast %add3A_715 : i32 to index
      %get3A_717 = tpu.vector_load %arg8[%get3A_716] {strides = array<i32>} : memref<13312xf32, #tpu.memory_space<vmem>>, vector<16xf32>,
      %get3A_718 = vector.shape_cast %get3A_717 : vector<16xf32> to vector<16xf32>
      %add3A_719 = arith.addf %add3A_711, %get3A_718 : vector<16xf32>
      %mul3A_720 = arith.constant 16 : i32
      %mul3A_721 = arith.muli %scan3A_626, %mul3A_720 : i32
      %add3A_722 = arith.constant 6144 : i32
      %add3A_723 = arith.addi %add3A_722, %mul3A_721 : i32
      %get3A_724 = arith.index_cast %add3A_723 : i32 to index
      %get3A_725 = tpu.vector_load %arg8[%get3A_724] {strides = array<i32>} : memref<13312xf32, #tpu.memory_space<vmem>>, vector<16xf32>,
      %get3A_726 = vector.shape_cast %get3A_725 : vector<16xf32> to vector<16xf32>
      %add3A_727 = arith.addf %add3A_719, %get3A_726 : vector<16xf32>
      %mul3A_728 = arith.constant 16 : i32
      %mul3A_729 = arith.muli %scan3A_626, %mul3A_728 : i32
      %add3A_730 = arith.constant 6656 : i32
      %add3A_731 = arith.addi %add3A_730, %mul3A_729 : i32
      %get3A_732 = arith.index_cast %add3A_731 : i32 to index
      %get3A_733 = tpu.vector_load %arg8[%get3A_732] {strides = array<i32>} : memref<13312xf32, #tpu.memory_space<vmem>>, vector<16xf32>,
      %get3A_734 = vector.shape_cast %get3A_733 : vector<16xf32> to vector<16xf32>
      %add3A_735 = arith.addf %add3A_727, %get3A_734 : vector<16xf32>
      %mul3A_736 = arith.constant 16 : i32
      %mul3A_737 = arith.muli %scan3A_626, %mul3A_736 : i32
      %add3A_738 = arith.constant 7168 : i32
      %add3A_739 = arith.addi %add3A_738, %mul3A_737 : i32
      %get3A_740 = arith.index_cast %add3A_739 : i32 to index
      %get3A_741 = tpu.vector_load %arg8[%get3A_740] {strides = array<i32>} : memref<13312xf32, #tpu.memory_space<vmem>>, vector<16xf32>,
      %get3A_742 = vector.shape_cast %get3A_741 : vector<16xf32> to vector<16xf32>
      %add3A_743 = arith.addf %add3A_735, %get3A_742 : vector<16xf32>
      %mul3A_744 = arith.constant 16 : i32
      %mul3A_745 = arith.muli %scan3A_626, %mul3A_744 : i32
      %add3A_746 = arith.constant 7680 : i32
      %add3A_747 = arith.addi %add3A_746, %mul3A_745 : i32
      %get3A_748 = arith.index_cast %add3A_747 : i32 to index
      %get3A_749 = tpu.vector_load %arg8[%get3A_748] {strides = array<i32>} : memref<13312xf32, #tpu.memory_space<vmem>>, vector<16xf32>,
      %get3A_750 = vector.shape_cast %get3A_749 : vector<16xf32> to vector<16xf32>
      %add3A_751 = arith.addf %add3A_743, %get3A_750 : vector<16xf32>
      %mul3A_752 = arith.constant 16 : i32
      %mul3A_753 = arith.muli %scan3A_626, %mul3A_752 : i32
      %add3A_754 = arith.constant 8192 : i32
      %add3A_755 = arith.addi %add3A_754, %mul3A_753 : i32
      %get3A_756 = arith.index_cast %add3A_755 : i32 to index
      %get3A_757 = tpu.vector_load %arg8[%get3A_756] {strides = array<i32>} : memref<13312xf32, #tpu.memory_space<vmem>>, vector<16xf32>,
      %get3A_758 = vector.shape_cast %get3A_757 : vector<16xf32> to vector<16xf32>
      %add3A_759 = arith.addf %add3A_751, %get3A_758 : vector<16xf32>
      %mul3A_760 = arith.constant 16 : i32
      %mul3A_761 = arith.muli %scan3A_626, %mul3A_760 : i32
      %add3A_762 = arith.constant 8704 : i32
      %add3A_763 = arith.addi %add3A_762, %mul3A_761 : i32
      %get3A_764 = arith.index_cast %add3A_763 : i32 to index
      %get3A_765 = tpu.vector_load %arg8[%get3A_764] {strides = array<i32>} : memref<13312xf32, #tpu.memory_space<vmem>>, vector<16xf32>,
      %get3A_766 = vector.shape_cast %get3A_765 : vector<16xf32> to vector<16xf32>
      %add3A_767 = arith.addf %add3A_759, %get3A_766 : vector<16xf32>
      %mul3A_768 = arith.constant 16 : i32
      %mul3A_769 = arith.muli %scan3A_626, %mul3A_768 : i32
      %add3A_770 = arith.constant 9216 : i32
      %add3A_771 = arith.addi %add3A_770, %mul3A_769 : i32
      %get3A_772 = arith.index_cast %add3A_771 : i32 to index
      %get3A_773 = tpu.vector_load %arg8[%get3A_772] {strides = array<i32>} : memref<13312xf32, #tpu.memory_space<vmem>>, vector<16xf32>,
      %get3A_774 = vector.shape_cast %get3A_773 : vector<16xf32> to vector<16xf32>
      %add3A_775 = arith.addf %add3A_767, %get3A_774 : vector<16xf32>
      %mul3A_776 = arith.constant 16 : i32
      %mul3A_777 = arith.muli %scan3A_626, %mul3A_776 : i32
      %add3A_778 = arith.constant 9728 : i32
      %add3A_779 = arith.addi %add3A_778, %mul3A_777 : i32
      %get3A_780 = arith.index_cast %add3A_779 : i32 to index
      %get3A_781 = tpu.vector_load %arg8[%get3A_780] {strides = array<i32>} : memref<13312xf32, #tpu.memory_space<vmem>>, vector<16xf32>,
      %get3A_782 = vector.shape_cast %get3A_781 : vector<16xf32> to vector<16xf32>
      %add3A_783 = arith.addf %add3A_775, %get3A_782 : vector<16xf32>
      %mul3A_784 = arith.constant 16 : i32
      %mul3A_785 = arith.muli %scan3A_626, %mul3A_784 : i32
      %add3A_786 = arith.constant 10240 : i32
      %add3A_787 = arith.addi %add3A_786, %mul3A_785 : i32
      %get3A_788 = arith.index_cast %add3A_787 : i32 to index
      %get3A_789 = tpu.vector_load %arg8[%get3A_788] {strides = array<i32>} : memref<13312xf32, #tpu.memory_space<vmem>>, vector<16xf32>,
      %get3A_790 = vector.shape_cast %get3A_789 : vector<16xf32> to vector<16xf32>
      %add3A_791 = arith.addf %add3A_783, %get3A_790 : vector<16xf32>
      %mul3A_792 = arith.constant 16 : i32
      %mul3A_793 = arith.muli %scan3A_626, %mul3A_792 : i32
      %add3A_794 = arith.constant 10752 : i32
      %add3A_795 = arith.addi %add3A_794, %mul3A_793 : i32
      %get3A_796 = arith.index_cast %add3A_795 : i32 to index
      %get3A_797 = tpu.vector_load %arg8[%get3A_796] {strides = array<i32>} : memref<13312xf32, #tpu.memory_space<vmem>>, vector<16xf32>,
      %get3A_798 = vector.shape_cast %get3A_797 : vector<16xf32> to vector<16xf32>
      %add3A_799 = arith.addf %add3A_791, %get3A_798 : vector<16xf32>
      %mul3A_800 = arith.constant 16 : i32
      %mul3A_801 = arith.muli %scan3A_626, %mul3A_800 : i32
      %add3A_802 = arith.constant 11264 : i32
      %add3A_803 = arith.addi %add3A_802, %mul3A_801 : i32
      %get3A_804 = arith.index_cast %add3A_803 : i32 to index
      %get3A_805 = tpu.vector_load %arg8[%get3A_804] {strides = array<i32>} : memref<13312xf32, #tpu.memory_space<vmem>>, vector<16xf32>,
      %get3A_806 = vector.shape_cast %get3A_805 : vector<16xf32> to vector<16xf32>
      %add3A_807 = arith.addf %add3A_799, %get3A_806 : vector<16xf32>
      %mul3A_808 = arith.constant 16 : i32
      %mul3A_809 = arith.muli %scan3A_626, %mul3A_808 : i32
      %add3A_810 = arith.constant 11776 : i32
      %add3A_811 = arith.addi %add3A_810, %mul3A_809 : i32
      %get3A_812 = arith.index_cast %add3A_811 : i32 to index
      %get3A_813 = tpu.vector_load %arg8[%get3A_812] {strides = array<i32>} : memref<13312xf32, #tpu.memory_space<vmem>>, vector<16xf32>,
      %get3A_814 = vector.shape_cast %get3A_813 : vector<16xf32> to vector<16xf32>
      %add3A_815 = arith.addf %add3A_807, %get3A_814 : vector<16xf32>
      %mul3A_816 = arith.constant 16 : i32
      %mul3A_817 = arith.muli %scan3A_626, %mul3A_816 : i32
      %add3A_818 = arith.constant 12288 : i32
      %add3A_819 = arith.addi %add3A_818, %mul3A_817 : i32
      %get3A_820 = arith.index_cast %add3A_819 : i32 to index
      %get3A_821 = tpu.vector_load %arg8[%get3A_820] {strides = array<i32>} : memref<13312xf32, #tpu.memory_space<vmem>>, vector<16xf32>,
      %get3A_822 = vector.shape_cast %get3A_821 : vector<16xf32> to vector<16xf32>
      %add3A_823 = arith.addf %add3A_815, %get3A_822 : vector<16xf32>
      %mul3A_824 = arith.constant 16 : i32
      %mul3A_825 = arith.muli %scan3A_626, %mul3A_824 : i32
      %add3A_826 = arith.constant 12800 : i32
      %add3A_827 = arith.addi %add3A_826, %mul3A_825 : i32
      %get3A_828 = arith.index_cast %add3A_827 : i32 to index
      %get3A_829 = tpu.vector_load %arg8[%get3A_828] {strides = array<i32>} : memref<13312xf32, #tpu.memory_space<vmem>>, vector<16xf32>,
      %get3A_830 = vector.shape_cast %get3A_829 : vector<16xf32> to vector<16xf32>
      %add3A_831 = arith.addf %add3A_823, %get3A_830 : vector<16xf32>
      %mul3A_832 = arith.constant 16 : i32
      %mul3A_833 = arith.muli %scan3A_626, %mul3A_832 : i32
      %add3A_834 = arith.constant 0 : i32
      %add3A_835 = arith.addi %add3A_834, %mul3A_833 : i32
      %get3A_836 = arith.index_cast %add3A_835 : i32 to index
      %get3A_837 = tpu.vector_load %arg9[%get3A_836] {strides = array<i32>} : memref<6656xf32, #tpu.memory_space<vmem>>, vector<16xf32>,
      %get3A_838 = vector.shape_cast %get3A_837 : vector<16xf32> to vector<16xf32>
      %mul3A_839 = arith.mulf %get3A_838, %get3A_559 : vector<16xf32>
      %add3A_840 = arith.addf %add3A_831, %mul3A_839 : vector<16xf32>
      %mul3A_841 = arith.constant 16 : i32
      %mul3A_842 = arith.muli %scan3A_626, %mul3A_841 : i32
      %add3A_843 = arith.constant 512 : i32
      %add3A_844 = arith.addi %add3A_843, %mul3A_842 : i32
      %get3A_845 = arith.index_cast %add3A_844 : i32 to index
      %get3A_846 = tpu.vector_load %arg9[%get3A_845] {strides = array<i32>} : memref<6656xf32, #tpu.memory_space<vmem>>, vector<16xf32>,
      %get3A_847 = vector.shape_cast %get3A_846 : vector<16xf32> to vector<16xf32>
      %mul3A_848 = arith.mulf %get3A_847, %get3A_564 : vector<16xf32>
      %add3A_849 = arith.addf %add3A_840, %mul3A_848 : vector<16xf32>
      %mul3A_850 = arith.constant 16 : i32
      %mul3A_851 = arith.muli %scan3A_626, %mul3A_850 : i32
      %add3A_852 = arith.constant 1024 : i32
      %add3A_853 = arith.addi %add3A_852, %mul3A_851 : i32
      %get3A_854 = arith.index_cast %add3A_853 : i32 to index
      %get3A_855 = tpu.vector_load %arg9[%get3A_854] {strides = array<i32>} : memref<6656xf32, #tpu.memory_space<vmem>>, vector<16xf32>,
      %get3A_856 = vector.shape_cast %get3A_855 : vector<16xf32> to vector<16xf32>
      %mul3A_857 = arith.mulf %get3A_856, %get3A_569 : vector<16xf32>
      %add3A_858 = arith.addf %add3A_849, %mul3A_857 : vector<16xf32>
      %mul3A_859 = arith.constant 16 : i32
      %mul3A_860 = arith.muli %scan3A_626, %mul3A_859 : i32
      %add3A_861 = arith.constant 1536 : i32
      %add3A_862 = arith.addi %add3A_861, %mul3A_860 : i32
      %get3A_863 = arith.index_cast %add3A_862 : i32 to index
      %get3A_864 = tpu.vector_load %arg9[%get3A_863] {strides = array<i32>} : memref<6656xf32, #tpu.memory_space<vmem>>, vector<16xf32>,
      %get3A_865 = vector.shape_cast %get3A_864 : vector<16xf32> to vector<16xf32>
      %mul3A_866 = arith.mulf %get3A_865, %get3A_574 : vector<16xf32>
      %add3A_867 = arith.addf %add3A_858, %mul3A_866 : vector<16xf32>
      %mul3A_868 = arith.constant 16 : i32
      %mul3A_869 = arith.muli %scan3A_626, %mul3A_868 : i32
      %add3A_870 = arith.constant 2048 : i32
      %add3A_871 = arith.addi %add3A_870, %mul3A_869 : i32
      %get3A_872 = arith.index_cast %add3A_871 : i32 to index
      %get3A_873 = tpu.vector_load %arg9[%get3A_872] {strides = array<i32>} : memref<6656xf32, #tpu.memory_space<vmem>>, vector<16xf32>,
      %get3A_874 = vector.shape_cast %get3A_873 : vector<16xf32> to vector<16xf32>
      %mul3A_875 = arith.mulf %get3A_874, %get3A_579 : vector<16xf32>
      %add3A_876 = arith.addf %add3A_867, %mul3A_875 : vector<16xf32>
      %mul3A_877 = arith.constant 16 : i32
      %mul3A_878 = arith.muli %scan3A_626, %mul3A_877 : i32
      %add3A_879 = arith.constant 2560 : i32
      %add3A_880 = arith.addi %add3A_879, %mul3A_878 : i32
      %get3A_881 = arith.index_cast %add3A_880 : i32 to index
      %get3A_882 = tpu.vector_load %arg9[%get3A_881] {strides = array<i32>} : memref<6656xf32, #tpu.memory_space<vmem>>, vector<16xf32>,
      %get3A_883 = vector.shape_cast %get3A_882 : vector<16xf32> to vector<16xf32>
      %mul3A_884 = arith.mulf %get3A_883, %get3A_584 : vector<16xf32>
      %add3A_885 = arith.addf %add3A_876, %mul3A_884 : vector<16xf32>
      %mul3A_886 = arith.constant 16 : i32
      %mul3A_887 = arith.muli %scan3A_626, %mul3A_886 : i32
      %add3A_888 = arith.constant 3072 : i32
      %add3A_889 = arith.addi %add3A_888, %mul3A_887 : i32
      %get3A_890 = arith.index_cast %add3A_889 : i32 to index
      %get3A_891 = tpu.vector_load %arg9[%get3A_890] {strides = array<i32>} : memref<6656xf32, #tpu.memory_space<vmem>>, vector<16xf32>,
      %get3A_892 = vector.shape_cast %get3A_891 : vector<16xf32> to vector<16xf32>
      %mul3A_893 = arith.mulf %get3A_892, %get3A_589 : vector<16xf32>
      %add3A_894 = arith.addf %add3A_885, %mul3A_893 : vector<16xf32>
      %mul3A_895 = arith.constant 16 : i32
      %mul3A_896 = arith.muli %scan3A_626, %mul3A_895 : i32
      %add3A_897 = arith.constant 3584 : i32
      %add3A_898 = arith.addi %add3A_897, %mul3A_896 : i32
      %get3A_899 = arith.index_cast %add3A_898 : i32 to index
      %get3A_900 = tpu.vector_load %arg9[%get3A_899] {strides = array<i32>} : memref<6656xf32, #tpu.memory_space<vmem>>, vector<16xf32>,
      %get3A_901 = vector.shape_cast %get3A_900 : vector<16xf32> to vector<16xf32>
      %mul3A_902 = arith.mulf %get3A_901, %get3A_594 : vector<16xf32>
      %add3A_903 = arith.addf %add3A_894, %mul3A_902 : vector<16xf32>
      %mul3A_904 = arith.constant 16 : i32
      %mul3A_905 = arith.muli %scan3A_626, %mul3A_904 : i32
      %add3A_906 = arith.constant 4096 : i32
      %add3A_907 = arith.addi %add3A_906, %mul3A_905 : i32
      %get3A_908 = arith.index_cast %add3A_907 : i32 to index
      %get3A_909 = tpu.vector_load %arg9[%get3A_908] {strides = array<i32>} : memref<6656xf32, #tpu.memory_space<vmem>>, vector<16xf32>,
      %get3A_910 = vector.shape_cast %get3A_909 : vector<16xf32> to vector<16xf32>
      %mul3A_911 = arith.mulf %get3A_910, %get3A_599 : vector<16xf32>
      %add3A_912 = arith.addf %add3A_903, %mul3A_911 : vector<16xf32>
      %mul3A_913 = arith.constant 16 : i32
      %mul3A_914 = arith.muli %scan3A_626, %mul3A_913 : i32
      %add3A_915 = arith.constant 4608 : i32
      %add3A_916 = arith.addi %add3A_915, %mul3A_914 : i32
      %get3A_917 = arith.index_cast %add3A_916 : i32 to index
      %get3A_918 = tpu.vector_load %arg9[%get3A_917] {strides = array<i32>} : memref<6656xf32, #tpu.memory_space<vmem>>, vector<16xf32>,
      %get3A_919 = vector.shape_cast %get3A_918 : vector<16xf32> to vector<16xf32>
      %mul3A_920 = arith.mulf %get3A_919, %get3A_604 : vector<16xf32>
      %add3A_921 = arith.addf %add3A_912, %mul3A_920 : vector<16xf32>
      %mul3A_922 = arith.constant 16 : i32
      %mul3A_923 = arith.muli %scan3A_626, %mul3A_922 : i32
      %add3A_924 = arith.constant 5120 : i32
      %add3A_925 = arith.addi %add3A_924, %mul3A_923 : i32
      %get3A_926 = arith.index_cast %add3A_925 : i32 to index
      %get3A_927 = tpu.vector_load %arg9[%get3A_926] {strides = array<i32>} : memref<6656xf32, #tpu.memory_space<vmem>>, vector<16xf32>,
      %get3A_928 = vector.shape_cast %get3A_927 : vector<16xf32> to vector<16xf32>
      %mul3A_929 = arith.mulf %get3A_928, %get3A_609 : vector<16xf32>
      %add3A_930 = arith.addf %add3A_921, %mul3A_929 : vector<16xf32>
      %mul3A_931 = arith.constant 16 : i32
      %mul3A_932 = arith.muli %scan3A_626, %mul3A_931 : i32
      %add3A_933 = arith.constant 5632 : i32
      %add3A_934 = arith.addi %add3A_933, %mul3A_932 : i32
      %get3A_935 = arith.index_cast %add3A_934 : i32 to index
      %get3A_936 = tpu.vector_load %arg9[%get3A_935] {strides = array<i32>} : memref<6656xf32, #tpu.memory_space<vmem>>, vector<16xf32>,
      %get3A_937 = vector.shape_cast %get3A_936 : vector<16xf32> to vector<16xf32>
      %mul3A_938 = arith.mulf %get3A_937, %get3A_614 : vector<16xf32>
      %add3A_939 = arith.addf %add3A_930, %mul3A_938 : vector<16xf32>
      %mul3A_940 = arith.constant 16 : i32
      %mul3A_941 = arith.muli %scan3A_626, %mul3A_940 : i32
      %add3A_942 = arith.constant 6144 : i32
      %add3A_943 = arith.addi %add3A_942, %mul3A_941 : i32
      %get3A_944 = arith.index_cast %add3A_943 : i32 to index
      %get3A_945 = tpu.vector_load %arg9[%get3A_944] {strides = array<i32>} : memref<6656xf32, #tpu.memory_space<vmem>>, vector<16xf32>,
      %get3A_946 = vector.shape_cast %get3A_945 : vector<16xf32> to vector<16xf32>
      %mul3A_947 = arith.mulf %get3A_946, %get3A_619 : vector<16xf32>
      %add3A_948 = arith.addf %add3A_939, %mul3A_947 : vector<16xf32>
      %swap3A = arith.index_cast %mul3A_628 : i32 to index
      %swap3A_949 = tpu.vector_load %arg11[%swap3A] {strides = array<i32>} : memref<512xf32, #tpu.memory_space<vmem>>, vector<16xf32>,
      %swap3A_950 = vector.shape_cast %swap3A_949 : vector<16xf32> to vector<16xf32>
      %swap3A_951 = vector.shape_cast %add3A_948 : vector<16xf32> to vector<16xf32>
      tpu.vector_store %arg11[%swap3A], %swap3A_951 {strides = array<i32>} : memref<512xf32, #tpu.memory_space<vmem>>, vector<16xf32>,
      %scan3A_952 = arith.constant 1 : i32
      %scan3A_953 = arith.addi %scan3A_626, %scan3A_952 : i32
      %mul3A_954 = arith.constant 16 : i32
      %mul3A_955 = arith.muli %scan3A_953, %mul3A_954 : i32
      %get3A_956 = arith.index_cast %mul3A_955 : i32 to index
      %get3A_957 = tpu.vector_load %arg8[%get3A_956] {strides = array<i32>} : memref<13312xf32, #tpu.memory_space<vmem>>, vector<16xf32>,
      %get3A_958 = vector.shape_cast %get3A_957 : vector<16xf32> to vector<16xf32>
      %mul3A_959 = arith.constant 16 : i32
      %mul3A_960 = arith.muli %scan3A_953, %mul3A_959 : i32
      %add3A_961 = arith.constant 512 : i32
      %add3A_962 = arith.addi %add3A_961, %mul3A_960 : i32
      %get3A_963 = arith.index_cast %add3A_962 : i32 to index
      %get3A_964 = tpu.vector_load %arg8[%get3A_963] {strides = array<i32>} : memref<13312xf32, #tpu.memory_space<vmem>>, vector<16xf32>,
      %get3A_965 = vector.shape_cast %get3A_964 : vector<16xf32> to vector<16xf32>
      %add3A_966 = arith.addf %get3A_958, %get3A_965 : vector<16xf32>
      %mul3A_967 = arith.constant 16 : i32
      %mul3A_968 = arith.muli %scan3A_953, %mul3A_967 : i32
      %add3A_969 = arith.constant 1024 : i32
      %add3A_970 = arith.addi %add3A_969, %mul3A_968 : i32
      %get3A_971 = arith.index_cast %add3A_970 : i32 to index
      %get3A_972 = tpu.vector_load %arg8[%get3A_971] {strides = array<i32>} : memref<13312xf32, #tpu.memory_space<vmem>>, vector<16xf32>,
      %get3A_973 = vector.shape_cast %get3A_972 : vector<16xf32> to vector<16xf32>
      %add3A_974 = arith.addf %add3A_966, %get3A_973 : vector<16xf32>
      %mul3A_975 = arith.constant 16 : i32
      %mul3A_976 = arith.muli %scan3A_953, %mul3A_975 : i32
      %add3A_977 = arith.constant 1536 : i32
      %add3A_978 = arith.addi %add3A_977, %mul3A_976 : i32
      %get3A_979 = arith.index_cast %add3A_978 : i32 to index
      %get3A_980 = tpu.vector_load %arg8[%get3A_979] {strides = array<i32>} : memref<13312xf32, #tpu.memory_space<vmem>>, vector<16xf32>,
      %get3A_981 = vector.shape_cast %get3A_980 : vector<16xf32> to vector<16xf32>
      %add3A_982 = arith.addf %add3A_974, %get3A_981 : vector<16xf32>
      %mul3A_983 = arith.constant 16 : i32
      %mul3A_984 = arith.muli %scan3A_953, %mul3A_983 : i32
      %add3A_985 = arith.constant 2048 : i32
      %add3A_986 = arith.addi %add3A_985, %mul3A_984 : i32
      %get3A_987 = arith.index_cast %add3A_986 : i32 to index
      %get3A_988 = tpu.vector_load %arg8[%get3A_987] {strides = array<i32>} : memref<13312xf32, #tpu.memory_space<vmem>>, vector<16xf32>,
      %get3A_989 = vector.shape_cast %get3A_988 : vector<16xf32> to vector<16xf32>
      %add3A_990 = arith.addf %add3A_982, %get3A_989 : vector<16xf32>
      %mul3A_991 = arith.constant 16 : i32
      %mul3A_992 = arith.muli %scan3A_953, %mul3A_991 : i32
      %add3A_993 = arith.constant 2560 : i32
      %add3A_994 = arith.addi %add3A_993, %mul3A_992 : i32
      %get3A_995 = arith.index_cast %add3A_994 : i32 to index
      %get3A_996 = tpu.vector_load %arg8[%get3A_995] {strides = array<i32>} : memref<13312xf32, #tpu.memory_space<vmem>>, vector<16xf32>,
      %get3A_997 = vector.shape_cast %get3A_996 : vector<16xf32> to vector<16xf32>
      %add3A_998 = arith.addf %add3A_990, %get3A_997 : vector<16xf32>
      %mul3A_999 = arith.constant 16 : i32
      %mul3A_1000 = arith.muli %scan3A_953, %mul3A_999 : i32
      %add3A_1001 = arith.constant 3072 : i32
      %add3A_1002 = arith.addi %add3A_1001, %mul3A_1000 : i32
      %get3A_1003 = arith.index_cast %add3A_1002 : i32 to index
      %get3A_1004 = tpu.vector_load %arg8[%get3A_1003] {strides = array<i32>} : memref<13312xf32, #tpu.memory_space<vmem>>, vector<16xf32>,
      %get3A_1005 = vector.shape_cast %get3A_1004 : vector<16xf32> to vector<16xf32>
      %add3A_1006 = arith.addf %add3A_998, %get3A_1005 : vector<16xf32>
      %mul3A_1007 = arith.constant 16 : i32
      %mul3A_1008 = arith.muli %scan3A_953, %mul3A_1007 : i32
      %add3A_1009 = arith.constant 3584 : i32
      %add3A_1010 = arith.addi %add3A_1009, %mul3A_1008 : i32
      %get3A_1011 = arith.index_cast %add3A_1010 : i32 to index
      %get3A_1012 = tpu.vector_load %arg8[%get3A_1011] {strides = array<i32>} : memref<13312xf32, #tpu.memory_space<vmem>>, vector<16xf32>,
      %get3A_1013 = vector.shape_cast %get3A_1012 : vector<16xf32> to vector<16xf32>
      %add3A_1014 = arith.addf %add3A_1006, %get3A_1013 : vector<16xf32>
      %mul3A_1015 = arith.constant 16 : i32
      %mul3A_1016 = arith.muli %scan3A_953, %mul3A_1015 : i32
      %add3A_1017 = arith.constant 4096 : i32
      %add3A_1018 = arith.addi %add3A_1017, %mul3A_1016 : i32
      %get3A_1019 = arith.index_cast %add3A_1018 : i32 to index
      %get3A_1020 = tpu.vector_load %arg8[%get3A_1019] {strides = array<i32>} : memref<13312xf32, #tpu.memory_space<vmem>>, vector<16xf32>,
      %get3A_1021 = vector.shape_cast %get3A_1020 : vector<16xf32> to vector<16xf32>
      %add3A_1022 = arith.addf %add3A_1014, %get3A_1021 : vector<16xf32>
      %mul3A_1023 = arith.constant 16 : i32
      %mul3A_1024 = arith.muli %scan3A_953, %mul3A_1023 : i32
      %add3A_1025 = arith.constant 4608 : i32
      %add3A_1026 = arith.addi %add3A_1025, %mul3A_1024 : i32
      %get3A_1027 = arith.index_cast %add3A_1026 : i32 to index
      %get3A_1028 = tpu.vector_load %arg8[%get3A_1027] {strides = array<i32>} : memref<13312xf32, #tpu.memory_space<vmem>>, vector<16xf32>,
      %get3A_1029 = vector.shape_cast %get3A_1028 : vector<16xf32> to vector<16xf32>
      %add3A_1030 = arith.addf %add3A_1022, %get3A_1029 : vector<16xf32>
      %mul3A_1031 = arith.constant 16 : i32
      %mul3A_1032 = arith.muli %scan3A_953, %mul3A_1031 : i32
      %add3A_1033 = arith.constant 5120 : i32
      %add3A_1034 = arith.addi %add3A_1033, %mul3A_1032 : i32
      %get3A_1035 = arith.index_cast %add3A_1034 : i32 to index
      %get3A_1036 = tpu.vector_load %arg8[%get3A_1035] {strides = array<i32>} : memref<13312xf32, #tpu.memory_space<vmem>>, vector<16xf32>,
      %get3A_1037 = vector.shape_cast %get3A_1036 : vector<16xf32> to vector<16xf32>
      %add3A_1038 = arith.addf %add3A_1030, %get3A_1037 : vector<16xf32>
      %mul3A_1039 = arith.constant 16 : i32
      %mul3A_1040 = arith.muli %scan3A_953, %mul3A_1039 : i32
      %add3A_1041 = arith.constant 5632 : i32
      %add3A_1042 = arith.addi %add3A_1041, %mul3A_1040 : i32
      %get3A_1043 = arith.index_cast %add3A_1042 : i32 to index
      %get3A_1044 = tpu.vector_load %arg8[%get3A_1043] {strides = array<i32>} : memref<13312xf32, #tpu.memory_space<vmem>>, vector<16xf32>,
      %get3A_1045 = vector.shape_cast %get3A_1044 : vector<16xf32> to vector<16xf32>
      %add3A_1046 = arith.addf %add3A_1038, %get3A_1045 : vector<16xf32>
      %mul3A_1047 = arith.constant 16 : i32
      %mul3A_1048 = arith.muli %scan3A_953, %mul3A_1047 : i32
      %add3A_1049 = arith.constant 6144 : i32
      %add3A_1050 = arith.addi %add3A_1049, %mul3A_1048 : i32
      %get3A_1051 = arith.index_cast %add3A_1050 : i32 to index
      %get3A_1052 = tpu.vector_load %arg8[%get3A_1051] {strides = array<i32>} : memref<13312xf32, #tpu.memory_space<vmem>>, vector<16xf32>,
      %get3A_1053 = vector.shape_cast %get3A_1052 : vector<16xf32> to vector<16xf32>
      %add3A_1054 = arith.addf %add3A_1046, %get3A_1053 : vector<16xf32>
      %mul3A_1055 = arith.constant 16 : i32
      %mul3A_1056 = arith.muli %scan3A_953, %mul3A_1055 : i32
      %add3A_1057 = arith.constant 6656 : i32
      %add3A_1058 = arith.addi %add3A_1057, %mul3A_1056 : i32
      %get3A_1059 = arith.index_cast %add3A_1058 : i32 to index
      %get3A_1060 = tpu.vector_load %arg8[%get3A_1059] {strides = array<i32>} : memref<13312xf32, #tpu.memory_space<vmem>>, vector<16xf32>,
      %get3A_1061 = vector.shape_cast %get3A_1060 : vector<16xf32> to vector<16xf32>
      %add3A_1062 = arith.addf %add3A_1054, %get3A_1061 : vector<16xf32>
      %mul3A_1063 = arith.constant 16 : i32
      %mul3A_1064 = arith.muli %scan3A_953, %mul3A_1063 : i32
      %add3A_1065 = arith.constant 7168 : i32
      %add3A_1066 = arith.addi %add3A_1065, %mul3A_1064 : i32
      %get3A_1067 = arith.index_cast %add3A_1066 : i32 to index
      %get3A_1068 = tpu.vector_load %arg8[%get3A_1067] {strides = array<i32>} : memref<13312xf32, #tpu.memory_space<vmem>>, vector<16xf32>,
      %get3A_1069 = vector.shape_cast %get3A_1068 : vector<16xf32> to vector<16xf32>
      %add3A_1070 = arith.addf %add3A_1062, %get3A_1069 : vector<16xf32>
      %mul3A_1071 = arith.constant 16 : i32
      %mul3A_1072 = arith.muli %scan3A_953, %mul3A_1071 : i32
      %add3A_1073 = arith.constant 7680 : i32
      %add3A_1074 = arith.addi %add3A_1073, %mul3A_1072 : i32
      %get3A_1075 = arith.index_cast %add3A_1074 : i32 to index
      %get3A_1076 = tpu.vector_load %arg8[%get3A_1075] {strides = array<i32>} : memref<13312xf32, #tpu.memory_space<vmem>>, vector<16xf32>,
      %get3A_1077 = vector.shape_cast %get3A_1076 : vector<16xf32> to vector<16xf32>
      %add3A_1078 = arith.addf %add3A_1070, %get3A_1077 : vector<16xf32>
      %mul3A_1079 = arith.constant 16 : i32
      %mul3A_1080 = arith.muli %scan3A_953, %mul3A_1079 : i32
      %add3A_1081 = arith.constant 8192 : i32
      %add3A_1082 = arith.addi %add3A_1081, %mul3A_1080 : i32
      %get3A_1083 = arith.index_cast %add3A_1082 : i32 to index
      %get3A_1084 = tpu.vector_load %arg8[%get3A_1083] {strides = array<i32>} : memref<13312xf32, #tpu.memory_space<vmem>>, vector<16xf32>,
      %get3A_1085 = vector.shape_cast %get3A_1084 : vector<16xf32> to vector<16xf32>
      %add3A_1086 = arith.addf %add3A_1078, %get3A_1085 : vector<16xf32>
      %mul3A_1087 = arith.constant 16 : i32
      %mul3A_1088 = arith.muli %scan3A_953, %mul3A_1087 : i32
      %add3A_1089 = arith.constant 8704 : i32
      %add3A_1090 = arith.addi %add3A_1089, %mul3A_1088 : i32
      %get3A_1091 = arith.index_cast %add3A_1090 : i32 to index
      %get3A_1092 = tpu.vector_load %arg8[%get3A_1091] {strides = array<i32>} : memref<13312xf32, #tpu.memory_space<vmem>>, vector<16xf32>,
      %get3A_1093 = vector.shape_cast %get3A_1092 : vector<16xf32> to vector<16xf32>
      %add3A_1094 = arith.addf %add3A_1086, %get3A_1093 : vector<16xf32>
      %mul3A_1095 = arith.constant 16 : i32
      %mul3A_1096 = arith.muli %scan3A_953, %mul3A_1095 : i32
      %add3A_1097 = arith.constant 9216 : i32
      %add3A_1098 = arith.addi %add3A_1097, %mul3A_1096 : i32
      %get3A_1099 = arith.index_cast %add3A_1098 : i32 to index
      %get3A_1100 = tpu.vector_load %arg8[%get3A_1099] {strides = array<i32>} : memref<13312xf32, #tpu.memory_space<vmem>>, vector<16xf32>,
      %get3A_1101 = vector.shape_cast %get3A_1100 : vector<16xf32> to vector<16xf32>
      %add3A_1102 = arith.addf %add3A_1094, %get3A_1101 : vector<16xf32>
      %mul3A_1103 = arith.constant 16 : i32
      %mul3A_1104 = arith.muli %scan3A_953, %mul3A_1103 : i32
      %add3A_1105 = arith.constant 9728 : i32
      %add3A_1106 = arith.addi %add3A_1105, %mul3A_1104 : i32
      %get3A_1107 = arith.index_cast %add3A_1106 : i32 to index
      %get3A_1108 = tpu.vector_load %arg8[%get3A_1107] {strides = array<i32>} : memref<13312xf32, #tpu.memory_space<vmem>>, vector<16xf32>,
      %get3A_1109 = vector.shape_cast %get3A_1108 : vector<16xf32> to vector<16xf32>
      %add3A_1110 = arith.addf %add3A_1102, %get3A_1109 : vector<16xf32>
      %mul3A_1111 = arith.constant 16 : i32
      %mul3A_1112 = arith.muli %scan3A_953, %mul3A_1111 : i32
      %add3A_1113 = arith.constant 10240 : i32
      %add3A_1114 = arith.addi %add3A_1113, %mul3A_1112 : i32
      %get3A_1115 = arith.index_cast %add3A_1114 : i32 to index
      %get3A_1116 = tpu.vector_load %arg8[%get3A_1115] {strides = array<i32>} : memref<13312xf32, #tpu.memory_space<vmem>>, vector<16xf32>,
      %get3A_1117 = vector.shape_cast %get3A_1116 : vector<16xf32> to vector<16xf32>
      %add3A_1118 = arith.addf %add3A_1110, %get3A_1117 : vector<16xf32>
      %mul3A_1119 = arith.constant 16 : i32
      %mul3A_1120 = arith.muli %scan3A_953, %mul3A_1119 : i32
      %add3A_1121 = arith.constant 10752 : i32
      %add3A_1122 = arith.addi %add3A_1121, %mul3A_1120 : i32
      %get3A_1123 = arith.index_cast %add3A_1122 : i32 to index
      %get3A_1124 = tpu.vector_load %arg8[%get3A_1123] {strides = array<i32>} : memref<13312xf32, #tpu.memory_space<vmem>>, vector<16xf32>,
      %get3A_1125 = vector.shape_cast %get3A_1124 : vector<16xf32> to vector<16xf32>
      %add3A_1126 = arith.addf %add3A_1118, %get3A_1125 : vector<16xf32>
      %mul3A_1127 = arith.constant 16 : i32
      %mul3A_1128 = arith.muli %scan3A_953, %mul3A_1127 : i32
      %add3A_1129 = arith.constant 11264 : i32
      %add3A_1130 = arith.addi %add3A_1129, %mul3A_1128 : i32
      %get3A_1131 = arith.index_cast %add3A_1130 : i32 to index
      %get3A_1132 = tpu.vector_load %arg8[%get3A_1131] {strides = array<i32>} : memref<13312xf32, #tpu.memory_space<vmem>>, vector<16xf32>,
      %get3A_1133 = vector.shape_cast %get3A_1132 : vector<16xf32> to vector<16xf32>
      %add3A_1134 = arith.addf %add3A_1126, %get3A_1133 : vector<16xf32>
      %mul3A_1135 = arith.constant 16 : i32
      %mul3A_1136 = arith.muli %scan3A_953, %mul3A_1135 : i32
      %add3A_1137 = arith.constant 11776 : i32
      %add3A_1138 = arith.addi %add3A_1137, %mul3A_1136 : i32
      %get3A_1139 = arith.index_cast %add3A_1138 : i32 to index
      %get3A_1140 = tpu.vector_load %arg8[%get3A_1139] {strides = array<i32>} : memref<13312xf32, #tpu.memory_space<vmem>>, vector<16xf32>,
      %get3A_1141 = vector.shape_cast %get3A_1140 : vector<16xf32> to vector<16xf32>
      %add3A_1142 = arith.addf %add3A_1134, %get3A_1141 : vector<16xf32>
      %mul3A_1143 = arith.constant 16 : i32
      %mul3A_1144 = arith.muli %scan3A_953, %mul3A_1143 : i32
      %add3A_1145 = arith.constant 12288 : i32
      %add3A_1146 = arith.addi %add3A_1145, %mul3A_1144 : i32
      %get3A_1147 = arith.index_cast %add3A_1146 : i32 to index
      %get3A_1148 = tpu.vector_load %arg8[%get3A_1147] {strides = array<i32>} : memref<13312xf32, #tpu.memory_space<vmem>>, vector<16xf32>,
      %get3A_1149 = vector.shape_cast %get3A_1148 : vector<16xf32> to vector<16xf32>
      %add3A_1150 = arith.addf %add3A_1142, %get3A_1149 : vector<16xf32>
      %mul3A_1151 = arith.constant 16 : i32
      %mul3A_1152 = arith.muli %scan3A_953, %mul3A_1151 : i32
      %add3A_1153 = arith.constant 12800 : i32
      %add3A_1154 = arith.addi %add3A_1153, %mul3A_1152 : i32
      %get3A_1155 = arith.index_cast %add3A_1154 : i32 to index
      %get3A_1156 = tpu.vector_load %arg8[%get3A_1155] {strides = array<i32>} : memref<13312xf32, #tpu.memory_space<vmem>>, vector<16xf32>,
      %get3A_1157 = vector.shape_cast %get3A_1156 : vector<16xf32> to vector<16xf32>
      %add3A_1158 = arith.addf %add3A_1150, %get3A_1157 : vector<16xf32>
      %mul3A_1159 = arith.constant 16 : i32
      %mul3A_1160 = arith.muli %scan3A_953, %mul3A_1159 : i32
      %add3A_1161 = arith.constant 0 : i32
      %add3A_1162 = arith.addi %add3A_1161, %mul3A_1160 : i32
      %get3A_1163 = arith.index_cast %add3A_1162 : i32 to index
      %get3A_1164 = tpu.vector_load %arg9[%get3A_1163] {strides = array<i32>} : memref<6656xf32, #tpu.memory_space<vmem>>, vector<16xf32>,
      %get3A_1165 = vector.shape_cast %get3A_1164 : vector<16xf32> to vector<16xf32>
      %mul3A_1166 = arith.mulf %get3A_1165, %get3A_559 : vector<16xf32>
      %add3A_1167 = arith.addf %add3A_1158, %mul3A_1166 : vector<16xf32>
      %mul3A_1168 = arith.constant 16 : i32
      %mul3A_1169 = arith.muli %scan3A_953, %mul3A_1168 : i32
      %add3A_1170 = arith.constant 512 : i32
      %add3A_1171 = arith.addi %add3A_1170, %mul3A_1169 : i32
      %get3A_1172 = arith.index_cast %add3A_1171 : i32 to index
      %get3A_1173 = tpu.vector_load %arg9[%get3A_1172] {strides = array<i32>} : memref<6656xf32, #tpu.memory_space<vmem>>, vector<16xf32>,
      %get3A_1174 = vector.shape_cast %get3A_1173 : vector<16xf32> to vector<16xf32>
      %mul3A_1175 = arith.mulf %get3A_1174, %get3A_564 : vector<16xf32>
      %add3A_1176 = arith.addf %add3A_1167, %mul3A_1175 : vector<16xf32>
      %mul3A_1177 = arith.constant 16 : i32
      %mul3A_1178 = arith.muli %scan3A_953, %mul3A_1177 : i32
      %add3A_1179 = arith.constant 1024 : i32
      %add3A_1180 = arith.addi %add3A_1179, %mul3A_1178 : i32
      %get3A_1181 = arith.index_cast %add3A_1180 : i32 to index
      %get3A_1182 = tpu.vector_load %arg9[%get3A_1181] {strides = array<i32>} : memref<6656xf32, #tpu.memory_space<vmem>>, vector<16xf32>,
      %get3A_1183 = vector.shape_cast %get3A_1182 : vector<16xf32> to vector<16xf32>
      %mul3A_1184 = arith.mulf %get3A_1183, %get3A_569 : vector<16xf32>
      %add3A_1185 = arith.addf %add3A_1176, %mul3A_1184 : vector<16xf32>
      %mul3A_1186 = arith.constant 16 : i32
      %mul3A_1187 = arith.muli %scan3A_953, %mul3A_1186 : i32
      %add3A_1188 = arith.constant 1536 : i32
      %add3A_1189 = arith.addi %add3A_1188, %mul3A_1187 : i32
      %get3A_1190 = arith.index_cast %add3A_1189 : i32 to index
      %get3A_1191 = tpu.vector_load %arg9[%get3A_1190] {strides = array<i32>} : memref<6656xf32, #tpu.memory_space<vmem>>, vector<16xf32>,
      %get3A_1192 = vector.shape_cast %get3A_1191 : vector<16xf32> to vector<16xf32>
      %mul3A_1193 = arith.mulf %get3A_1192, %get3A_574 : vector<16xf32>
      %add3A_1194 = arith.addf %add3A_1185, %mul3A_1193 : vector<16xf32>
      %mul3A_1195 = arith.constant 16 : i32
      %mul3A_1196 = arith.muli %scan3A_953, %mul3A_1195 : i32
      %add3A_1197 = arith.constant 2048 : i32
      %add3A_1198 = arith.addi %add3A_1197, %mul3A_1196 : i32
      %get3A_1199 = arith.index_cast %add3A_1198 : i32 to index
      %get3A_1200 = tpu.vector_load %arg9[%get3A_1199] {strides = array<i32>} : memref<6656xf32, #tpu.memory_space<vmem>>, vector<16xf32>,
      %get3A_1201 = vector.shape_cast %get3A_1200 : vector<16xf32> to vector<16xf32>
      %mul3A_1202 = arith.mulf %get3A_1201, %get3A_579 : vector<16xf32>
      %add3A_1203 = arith.addf %add3A_1194, %mul3A_1202 : vector<16xf32>
      %mul3A_1204 = arith.constant 16 : i32
      %mul3A_1205 = arith.muli %scan3A_953, %mul3A_1204 : i32
      %add3A_1206 = arith.constant 2560 : i32
      %add3A_1207 = arith.addi %add3A_1206, %mul3A_1205 : i32
      %get3A_1208 = arith.index_cast %add3A_1207 : i32 to index
      %get3A_1209 = tpu.vector_load %arg9[%get3A_1208] {strides = array<i32>} : memref<6656xf32, #tpu.memory_space<vmem>>, vector<16xf32>,
      %get3A_1210 = vector.shape_cast %get3A_1209 : vector<16xf32> to vector<16xf32>
      %mul3A_1211 = arith.mulf %get3A_1210, %get3A_584 : vector<16xf32>
      %add3A_1212 = arith.addf %add3A_1203, %mul3A_1211 : vector<16xf32>
      %mul3A_1213 = arith.constant 16 : i32
      %mul3A_1214 = arith.muli %scan3A_953, %mul3A_1213 : i32
      %add3A_1215 = arith.constant 3072 : i32
      %add3A_1216 = arith.addi %add3A_1215, %mul3A_1214 : i32
      %get3A_1217 = arith.index_cast %add3A_1216 : i32 to index
      %get3A_1218 = tpu.vector_load %arg9[%get3A_1217] {strides = array<i32>} : memref<6656xf32, #tpu.memory_space<vmem>>, vector<16xf32>,
      %get3A_1219 = vector.shape_cast %get3A_1218 : vector<16xf32> to vector<16xf32>
      %mul3A_1220 = arith.mulf %get3A_1219, %get3A_589 : vector<16xf32>
      %add3A_1221 = arith.addf %add3A_1212, %mul3A_1220 : vector<16xf32>
      %mul3A_1222 = arith.constant 16 : i32
      %mul3A_1223 = arith.muli %scan3A_953, %mul3A_1222 : i32
      %add3A_1224 = arith.constant 3584 : i32
      %add3A_1225 = arith.addi %add3A_1224, %mul3A_1223 : i32
      %get3A_1226 = arith.index_cast %add3A_1225 : i32 to index
      %get3A_1227 = tpu.vector_load %arg9[%get3A_1226] {strides = array<i32>} : memref<6656xf32, #tpu.memory_space<vmem>>, vector<16xf32>,
      %get3A_1228 = vector.shape_cast %get3A_1227 : vector<16xf32> to vector<16xf32>
      %mul3A_1229 = arith.mulf %get3A_1228, %get3A_594 : vector<16xf32>
      %add3A_1230 = arith.addf %add3A_1221, %mul3A_1229 : vector<16xf32>
      %mul3A_1231 = arith.constant 16 : i32
      %mul3A_1232 = arith.muli %scan3A_953, %mul3A_1231 : i32
      %add3A_1233 = arith.constant 4096 : i32
      %add3A_1234 = arith.addi %add3A_1233, %mul3A_1232 : i32
      %get3A_1235 = arith.index_cast %add3A_1234 : i32 to index
      %get3A_1236 = tpu.vector_load %arg9[%get3A_1235] {strides = array<i32>} : memref<6656xf32, #tpu.memory_space<vmem>>, vector<16xf32>,
      %get3A_1237 = vector.shape_cast %get3A_1236 : vector<16xf32> to vector<16xf32>
      %mul3A_1238 = arith.mulf %get3A_1237, %get3A_599 : vector<16xf32>
      %add3A_1239 = arith.addf %add3A_1230, %mul3A_1238 : vector<16xf32>
      %mul3A_1240 = arith.constant 16 : i32
      %mul3A_1241 = arith.muli %scan3A_953, %mul3A_1240 : i32
      %add3A_1242 = arith.constant 4608 : i32
      %add3A_1243 = arith.addi %add3A_1242, %mul3A_1241 : i32
      %get3A_1244 = arith.index_cast %add3A_1243 : i32 to index
      %get3A_1245 = tpu.vector_load %arg9[%get3A_1244] {strides = array<i32>} : memref<6656xf32, #tpu.memory_space<vmem>>, vector<16xf32>,
      %get3A_1246 = vector.shape_cast %get3A_1245 : vector<16xf32> to vector<16xf32>
      %mul3A_1247 = arith.mulf %get3A_1246, %get3A_604 : vector<16xf32>
      %add3A_1248 = arith.addf %add3A_1239, %mul3A_1247 : vector<16xf32>
      %mul3A_1249 = arith.constant 16 : i32
      %mul3A_1250 = arith.muli %scan3A_953, %mul3A_1249 : i32
      %add3A_1251 = arith.constant 5120 : i32
      %add3A_1252 = arith.addi %add3A_1251, %mul3A_1250 : i32
      %get3A_1253 = arith.index_cast %add3A_1252 : i32 to index
      %get3A_1254 = tpu.vector_load %arg9[%get3A_1253] {strides = array<i32>} : memref<6656xf32, #tpu.memory_space<vmem>>, vector<16xf32>,
      %get3A_1255 = vector.shape_cast %get3A_1254 : vector<16xf32> to vector<16xf32>
      %mul3A_1256 = arith.mulf %get3A_1255, %get3A_609 : vector<16xf32>
      %add3A_1257 = arith.addf %add3A_1248, %mul3A_1256 : vector<16xf32>
      %mul3A_1258 = arith.constant 16 : i32
      %mul3A_1259 = arith.muli %scan3A_953, %mul3A_1258 : i32
      %add3A_1260 = arith.constant 5632 : i32
      %add3A_1261 = arith.addi %add3A_1260, %mul3A_1259 : i32
      %get3A_1262 = arith.index_cast %add3A_1261 : i32 to index
      %get3A_1263 = tpu.vector_load %arg9[%get3A_1262] {strides = array<i32>} : memref<6656xf32, #tpu.memory_space<vmem>>, vector<16xf32>,
      %get3A_1264 = vector.shape_cast %get3A_1263 : vector<16xf32> to vector<16xf32>
      %mul3A_1265 = arith.mulf %get3A_1264, %get3A_614 : vector<16xf32>
      %add3A_1266 = arith.addf %add3A_1257, %mul3A_1265 : vector<16xf32>
      %mul3A_1267 = arith.constant 16 : i32
      %mul3A_1268 = arith.muli %scan3A_953, %mul3A_1267 : i32
      %add3A_1269 = arith.constant 6144 : i32
      %add3A_1270 = arith.addi %add3A_1269, %mul3A_1268 : i32
      %get3A_1271 = arith.index_cast %add3A_1270 : i32 to index
      %get3A_1272 = tpu.vector_load %arg9[%get3A_1271] {strides = array<i32>} : memref<6656xf32, #tpu.memory_space<vmem>>, vector<16xf32>,
      %get3A_1273 = vector.shape_cast %get3A_1272 : vector<16xf32> to vector<16xf32>
      %mul3A_1274 = arith.mulf %get3A_1273, %get3A_619 : vector<16xf32>
      %add3A_1275 = arith.addf %add3A_1266, %mul3A_1274 : vector<16xf32>
      %swap3A_1276 = arith.index_cast %mul3A_955 : i32 to index
      %swap3A_1277 = tpu.vector_load %arg11[%swap3A_1276] {strides = array<i32>} : memref<512xf32, #tpu.memory_space<vmem>>, vector<16xf32>,
      %swap3A_1278 = vector.shape_cast %swap3A_1277 : vector<16xf32> to vector<16xf32>
      %swap3A_1279 = vector.shape_cast %add3A_1275 : vector<16xf32> to vector<16xf32>
      tpu.vector_store %arg11[%swap3A_1276], %swap3A_1279 {strides = array<i32>} : memref<512xf32, #tpu.memory_space<vmem>>, vector<16xf32>,
    }
    %scan3A_625 = arith.constant 32 : i32
    "tpu.region"() ({
      %run_scoped3A = tpu.sem_alloc : memref<!tpu.dma_semaphore, #tpu.memory_space<semaphore_mem>>
      %dma_start3A_626 = tpu.memref_slice %arg6[%mul3A_2] : memref<16384xf32, #tpu.memory_space<hbm>> -> memref<512xf32, #tpu.memory_space<hbm>>
      %dma_start3A_627 = tpu.memref_slice %arg6[%mul3A_2] : memref<16384xf32, #tpu.memory_space<hbm>> -> memref<512xf32, #tpu.memory_space<hbm>>
      tpu.enqueue_dma source(%arg11 : memref<512xf32, #tpu.memory_space<vmem>>) target(%dma_start3A_627 : memref<512xf32, #tpu.memory_space<hbm>>) target_semaphore(%run_scoped3A : memref<!tpu.dma_semaphore, #tpu.memory_space<semaphore_mem>>)
      %dma_wait3A_628 = tpu.memref_slice %arg6[%mul3A_2] : memref<16384xf32, #tpu.memory_space<hbm>> -> memref<512xf32, #tpu.memory_space<hbm>>
      %dma_wait3A_629 = tpu.memref_slice %arg6[%mul3A_2] : memref<16384xf32, #tpu.memory_space<hbm>> -> memref<512xf32, #tpu.memory_space<hbm>>
      tpu.wait_dma2 semaphore(%run_scoped3A : memref<!tpu.dma_semaphore, #tpu.memory_space<semaphore_mem>>) src(%arg11 : memref<512xf32, #tpu.memory_space<vmem>>) dst(%dma_wait3A_629 : memref<512xf32, #tpu.memory_space<hbm>>)
      tpu.yield
    }) : () -> ()
    return
  }
}

</mosaic_0001>

<sc_bundles>
// kernel: _linear_sc.3.cloned.1.call-start
scs
__scs_entry_jumppad:
0x0: {  	(pc) =	sbr.rel $0x88, $3  }
0x1: {  	(tag) =	ssettag $0x0;
	lr =	simm.s32 $0x1  }
0x2: {  	[smem:$0x3F9D] =	sst lr;
	_ =	strace $0xD0000000  }
0x3: {  	_ = 	snop  }
0x4: {  	_ = 	snop  }
0x5: {  	_ = 	snop  }
0x6: {  	_ = 	snop  }
0x7: {  	_ = 	snop  }
__scs_overlays_trampoline_lowered:
0x8: {  	[smem:$0x3FAC] =	sst s0  }
0x9: {  	[smem:$0x3FAD] =	sst s1  }
0xa: {  	[smem:$0x3FAE] =	sst s2  }
0xb: {  	[smem:$0x3FAF] =	sst s3  }
0xc: {  	[smem:$0x3FB0] =	sst s4  }
0xd: {  	[smem:$0x3FB1] =	sst s5  }
0xe: {  	[smem:$0x3FB2] =	sst s6  }
0xf: {  	[smem:$0x3FB3] =	sst s7  }
0x10: {  	[smem:$0x3FB4] =	sst s8  }
0x11: {  	[smem:$0x3FB5] =	sst s9;
	s0 =	simm.s32 @!p0 $0x0  }
0x12: {  	s1 =	sld [smem:$0x3F9B];
	s0 =	simm.s32 @p0 $0x1  }
0x13: {  	[smem:$0x3FB6] =	sst s0;
	s0 =	simm.s32 @!p1 $0x0  }
0x14: {  	s2 =	sld [smem:$0x3F9A];
	s0 =	simm.s32 @p1 $0x1  }
0x15: {  	[smem:$0x3FB7] =	sst s0;
	s0 =	simm.s32 @!p2 $0x0  }
0x16: {  	s3 =	sld [smem:$0x3FDB];
	s0 =	simm.s32 @p2 $0x1  }
0x17: {  	s4 =	simm.s32 $0x1BF5;
	[smem:$0x3FB9] =	sst s0  }
0x18: {  	s0 =	sld [smem:$0x3F9C];
	_ =	swait.ge [sflag:s4], $0x0  }
0x19: {  	s7 =	sld [smem:$0x3F9D]  }
0x1a: {  	s8 =	sadd.s32 $0xFFFFE003, lr  }
0x1b: {  	s9 =	sadd.s32 $0xFFFFFEF7, lr;
	s5 =	simm.s32 $0xFFFFFFFF;
	p2 =	slt.u32 s8, $0xFFFFF086  }
0x1c: {  	p1 =	slt.u32 s9, $0xF7A;
	s5 =	simm.s32 @!p2 $0x0  }
0x1d: {  	s5 =	simm.s32 @p1 $0x1;
	p0 =	seq.s32 s7, s2  }
0x1e: {  	s7 =	smul.u32 @!p0 $0xF7A, s2;
	p2 =	seq.s32 @!p0 s5, $0x0  }
0x1f: {  	s9 =	smul.u32 $0xF7A, s1;
	s8 =	simm.s32 @!p0 $0x1BF5;
	p2 =	por !p2, p0  }
0x20: {  	[sflag:s8] =	ssyncset.s32 @!p0 $0xFFFFF086;
	s6 =	sadd.s32 @!p0 s3, s7;
	s7 =	simm.s32 @!p0 $0x108  }
0x21: {  	s3 =	sadd.s32 s3, s9;
	s6 =	sadd.s32 @!p0 $0x88, s6;
	s7 =	simm.s32 @p2 $0x1082  }
0x22: {  	[simem:s7], [sflag:s8] =	dma.local @!p0 [hbm:s6], $0xF7A  }
0x23: {  	s9 =	sor.u32 $0xD0000000, s2;
	s6 =	simm.s32 $0x108;
	_ =	swait.ge @!p0 [sflag:s8], $0x0  }
0x24: {  	s3 =	sadd.s32 $0x88, s3;
	s6 =	simm.s32 @!p1 $0x1082;
	[sflag:s4] =	ssyncset.s32 $0xFFFFF086  }
0x25: {  	[simem:s6], [sflag:s4] =	dma.local [hbm:s3], $0xF7A  }
0x26: {  	[smem:$0x3F9D] =	sst s1;
	(tag) =	ssettag s2;
	_ =	strace s9  }
0x27: {  	s1 =	sld [smem:$0x3FAD]  }
0x28: {  	s2 =	sld [smem:$0x3FAE]  }
0x29: {  	s4 =	sld [smem:$0x3FB0]  }
0x2a: {  	p0 =	seq.s32 s5, $0x0;
	s5 =	sld [smem:$0x3FB1]  }
0x2b: {  	s6 =	sld [smem:$0x3FB2]  }
0x2c: {  	s7 =	sld [smem:$0x3FB3]  }
0x2d: {  	s3 =	simm.s32 $0x108;
	s8 =	sld [smem:$0x3FB4]  }
0x2e: {  	s3 =	simm.s32 @!p0 $0x1082;
	s9 =	sld [smem:$0x3FB5]  }
0x2f: {  	lr =	sadd.s32 s0, s3;
	s0 =	sld [smem:$0x3FAC]  }
0x30: {  	s3 =	sld [smem:$0x3FAF]  }
0x31: {  	[smem:$0x3FB8] =	sst s10  }
0x32: {  	s10 =	sld [smem:$0x3FB6];
	_ =	sdelay $0x3  }
0x33: {  	p0 =	seq.s32 s10, $0x1;
	s10 =	sld [smem:$0x3FB8];
	_ =	sdelay $0x3  }
0x34: {  	[smem:$0x3FB8] =	sst s10  }
0x35: {  	s10 =	sld [smem:$0x3FB7];
	_ =	sdelay $0x3  }
0x36: {  	p1 =	seq.s32 s10, $0x1;
	s10 =	sld [smem:$0x3FB8];
	_ =	sdelay $0x3  }
0x37: {  	[smem:$0x3FB8] =	sst s10  }
0x38: {  	s10 =	sld [smem:$0x3FB9]  }
0x39: {  	_ = 	snop;
	(pc) =	sbr.ind lr, $3  }
0x3a: {  	_ = 	snop  }
0x3b: {  	_ = 	snop  }
0x3c: {  	p2 =	seq.s32 s10, $0x1;
	s10 =	sld [smem:$0x3FB8]  }
0x3d: {  	_ =	shalt  }
0x3e: {  	_ =	shalt  }
0x3f: {  	_ =	shalt  }
0x40: {  	_ =	shalt  }
0x41: {  	_ =	shalt  }
0x42: {  	_ =	shalt  }
0x43: {  	_ =	shalt  }
0x44: {  	_ =	shalt  }
0x45: {  	_ =	shalt  }
0x46: {  	_ =	shalt  }
0x47: {  	_ =	shalt  }
0x48: {  	_ =	shalt  }
0x49: {  	_ =	shalt  }
0x4a: {  	_ =	shalt  }
0x4b: {  	_ =	shalt  }
0x4c: {  	_ =	shalt  }
0x4d: {  	_ =	shalt  }
0x4e: {  	_ =	shalt  }
0x4f: {  	_ =	shalt  }
0x50: {  	_ =	shalt  }
0x51: {  	_ =	shalt  }
0x52: {  	_ =	shalt  }
0x53: {  	_ =	shalt  }
0x54: {  	_ =	shalt  }
0x55: {  	_ =	shalt  }
0x56: {  	_ =	shalt  }
0x57: {  	_ =	shalt  }
0x58: {  	_ =	shalt  }
0x59: {  	_ =	shalt  }
0x5a: {  	_ =	shalt  }
0x5b: {  	_ =	shalt  }
0x5c: {  	_ =	shalt  }
0x5d: {  	_ =	shalt  }
0x5e: {  	_ =	shalt  }
0x5f: {  	_ =	shalt  }
0x60: {  	_ =	shalt  }
0x61: {  	_ =	shalt  }
0x62: {  	_ =	shalt  }
0x63: {  	_ =	shalt  }
0x64: {  	_ =	shalt  }
0x65: {  	_ =	shalt  }
0x66: {  	_ =	shalt  }
0x67: {  	_ =	shalt  }
0x68: {  	_ =	shalt  }
0x69: {  	_ =	shalt  }
0x6a: {  	_ =	shalt  }
0x6b: {  	_ =	shalt  }
0x6c: {  	_ =	shalt  }
0x6d: {  	_ =	shalt  }
0x6e: {  	_ =	shalt  }
0x6f: {  	_ =	shalt  }
0x70: {  	_ =	shalt  }
0x71: {  	_ =	shalt  }
0x72: {  	_ =	shalt  }
0x73: {  	_ =	shalt  }
0x74: {  	_ =	shalt  }
0x75: {  	_ =	shalt  }
0x76: {  	_ =	shalt  }
0x77: {  	_ =	shalt  }
0x78: {  	_ =	shalt  }
0x79: {  	_ =	shalt  }
0x7a: {  	_ =	shalt  }
0x7b: {  	_ =	shalt  }
0x7c: {  	_ =	shalt  }
0x7d: {  	_ =	shalt  }
0x7e: {  	_ =	shalt  }
0x7f: {  	_ =	shalt  }
0x80: {  	_ =	shalt  }
0x81: {  	_ =	shalt  }
0x82: {  	_ =	shalt  }
0x83: {  	_ =	shalt  }
0x84: {  	_ =	shalt  }
0x85: {  	_ =	shalt  }
0x86: {  	_ =	shalt  }
0x87: {  	_ =	shalt  }
.Lfunc_end0:
.L_simem_size_0:
called_computation_lowered:
.L_overlay_start_0:
0x88: {  	s2 =	sld [smem:$0x3FD9]  }
0x89: {  	s3 =	sld [smem:$0x3FFE];
	_ =	sdelay $0x1  }
0x8a: {  	s1 =	srdreg.scid  }
0x8b: {  	s0 =	sand.u32 $0x1, s1  }
0x8c: {  	s18 =	sshll.u32 s0, $0xA;
	s2 =	sadd.s32 s3, s2  }
0x8d: {  	s2 =	sadd.s32 s2, s18  }
0x8e: {  	[smem:$0x3FC4] =	sst s2  }
0x8f: {  	_ = 	snop  }
0x90: {  	s2 =	sld [smem:$0x3FC9]  }
0x91: {  	s19 =	sld [smem:$0x3FC8]  }
0x92: {  	s4 =	sld [smem:$0x3FC7]  }
0x93: {  	s5 =	sld [smem:$0x3FC6]  }
0x94: {  	s6 =	sld [smem:$0x3FD0];
	(tm) =	ssettm $0x1  }
0x95: {  	s7 =	sld [smem:$0x3FFB];
	_ =	sdelay $0x3  }
0x96: {  	_ =	strace s7  }
0x97: {  	s7 =	sld [smem:$0x3FFC];
	_ =	sdelay $0x3  }
0x98: {  	_ =	strace s7  }
0x99: {  	s7 =	sld [smem:$0x3FFD];
	_ =	sdelay $0x3  }
0x9a: {  	_ =	strace s7  }
0x9b: {  	_ =	strace $0x8FFFFFFF  }
0x9c: {  	s20 =	sld [smem:$0x3FDB];
	_ =	sdelay $0x1  }
0x9d: {  	s8 =	simm.s32 $_scs_section_size  }
0x9e: {  	s9 =	simm.s32 $_size__tile_overlayer_lowered;
	s10 =	simm.s32 $_tile_overlayer_lowered  }
0x9f: {  	s23 =	simm.s32 $0x1BFF;
	s22 =	sshll.u32 s10, $0x1;
	s7 =	sadd.s32 s8, s20  }
0xa0: {  	s11 =	simm.s32 $0x0;
	s21 =	sshll.u32 s9, $0x1;
	s9 =	sadd.s32 s22, s7  }
0xa1: {  	[timem:s11], [sflag:s23] =	dma.local [hbm:s9], s21  }
0xa2: {  	_ =	swait.ge [sflag:s23], s21  }
0xa3: {  	s8 =	ssub.s32 $0x0, s21;
	[sflag:s23] =	ssyncset.done $0x0  }
0xa4: {  	[sflag:s23] =	ssyncadd.s32 s8;
	_ =	sdelay $0x1  }
0xa5: {  	s24 =	simm.s32 $0x1B8B  }
0xa6: {  	_ =	swait.ge [sflag:s24], $0x1  }
0xa7: {  	[sflag:s24] =	ssyncset.done $0x0  }
0xa8: {  	s25 =	simm.s32 $0x1B8E;
	[sflag:s24] =	ssyncadd.s32 $0xFFFFFFFF  }
0xa9: {  	s26 =	simm.s32 $execute0_lowered;
	[smem:$0x3FD2] =	sst s25  }
0xaa: {  	s8 =	sshll.u32 s26, $0x1;
	_ =	strace $0x80000046;
	[dreg:$0x1] =	wrdreg $0xFFFFFFFF  }
0xab: {  	s28 =	simm.s32 $_size_execute0_lowered;
	s7 =	sadd.s32 s7, s8;
	[dreg:$0x0] =	wrdreg $0x0  }
0xac: {  	s8 =	sshll.u32 s28, $0x1;
	[dreg:$0x2] =	wrdreg s7  }
0xad: {  	[dreg:$0x3] =	wrdreg s8  }
0xae: {  	[dreg:$0x4] =	wrdreg $0xC0  }
0xaf: {  	_ =	task [dreg:s11], $0x5FFFF  }
0xb0: {  	[dreg:$0x1] =	wrdreg $0xFFFFFFFF  }
0xb1: {  	[dreg:$0x0] =	wrdreg $0x60  }
0xb2: {  	[dreg:$0x2] =	wrdreg s2  }
0xb3: {  	[dreg:$0x3] =	wrdreg s19  }
0xb4: {  	[dreg:$0x4] =	wrdreg s4  }
0xb5: {  	[dreg:$0x5] =	wrdreg s5  }
0xb6: {  	[dreg:$0x6] =	wrdreg s6  }
0xb7: {  	[dreg:$0x7] =	wrdreg $0x9  }
0xb8: {  	_ =	task.clear_ibuf [dreg:s11], $0x8FFFF;
	_ =	strace $0x90000046  }
0xb9: {  	s29 =	simm.s32 $0x9;
	_ =	strace $0x80000048  }
0xba: {  	_ =	swait.ge [sflag:s29], $0x1  }
0xbb: {  	[sflag:s29] =	ssyncadd.s32 $0xFFFFFFFF  }
0xbc: {  	_ =	strace $0x90000048  }
0xbd: {  	_ =	sfence  }
0xbe: {  	s30 =	sld [smem:$0x0];
	_ =	sdelay $0x2  }
0xbf: {  	s31 =	sshll.u32 s1, $0xD;
	s1 =	sshrl.u32 s1, $0x2  }
0xc0: {  	s3 =	sand.u32 $0x4000, s31;
	s1 =	sadd.s32 s1, s30  }
0xc1: {  	s0 =	sor.u32 s3, s0;
	s1 =	sshll.u32 s1, $0x11  }
0xc2: {  	s0 =	sor.u32 s1, s0  }
0xc3: {  	s0 =	sadd.s32 $0x8F2B, s0  }
0xc4: {  	[sflag:s0] =	ssyncadd.remote.s32 $0x1  }
0xc5: {  	_ =	sfence.sel $0xFFFF  }
0xc6: {  	[dreg:$0x0] =	wrdreg $0xFFFFFFFF;
	(pc) =	sbr.abs _section_cstart, $3  }
0xc7: {  	[dreg:$0x1] =	wrdreg $0xFFFFFFFF  }
0xc8: {  	_ =	task.clear_ibuf [dreg:s11], $0x2FFFF;
	_ =	strace $0x9FFFFFFF  }
0xc9: {  	(tm) =	ssettm $0x7FFFFFFF  }
tec
execute0_lowered:
.L_overlay_start_1:
0x0: {  	(tag) =	ssettag $0x1  }
0x1: {  	s1 =	srdreg.scid  }
0x2: {  	s2 =	sand.u32 $0x1, s1  }
0x3: {  	s6 =	stileid.u32;
	s4 =	ssub.s32 $0x2, s2  }
0x4: {  	s6 =	sshll.u32 s6, $0x7;
	s2 =	sshll.u32 s2, $0x6;
	s5 =	sshrl.u32 s4, $0x1  }
0x5: {  	s0 =	rddreg [dreg:$0x0];
	s4 =	ssub.s32 s4, s5;
	s5 =	sor.u32 s2, s6  }
0x6: {  	s3 =	rddreg [dreg:$0x1];
	s1 =	simm.s32 $0x0;
	s6 =	sor.u32 $0x800, s5  }
0x7: {  	[smem:$0x7FF] =	sst s1;
	s7 =	sor.u32 $0x1000, s5;
	s8 =	sadd.s32 s0, s6  }
0x8: {  	s19 =	sor.u32 $0x1800, s5;
	s18 =	sadd.s32 s0, s7;
	[dreg:$0x6] =	wrdreg s8  }
0x9: {  	s20 =	sor.u32 $0x2000, s5;
	s9 =	sadd.s32 s0, s19;
	[dreg:$0x7] =	wrdreg s18  }
0xa: {  	s10 =	sor.u32 $0x2800, s5;
	s11 =	sadd.s32 s0, s20;
	[dreg:$0x8] =	wrdreg s9  }
0xb: {  	s22 =	sor.u32 $0x3000, s5;
	s21 =	sadd.s32 s0, s10;
	[dreg:$0x9] =	wrdreg s11  }
0xc: {  	s23 =	sor.u32 $0x3800, s5;
	s12 =	sadd.s32 s0, s22;
	[dreg:$0xa] =	wrdreg s21  }
0xd: {  	s13 =	sor.u32 $0x4000, s5;
	s14 =	sadd.s32 s0, s23;
	[dreg:$0xb] =	wrdreg s12  }
0xe: {  	s25 =	sor.u32 $0x4800, s5;
	s24 =	sadd.s32 s0, s13;
	[dreg:$0xc] =	wrdreg s14  }
0xf: {  	s16 =	sor.u32 $0x5800, s5;
	s15 =	sadd.s32 s0, s25;
	[dreg:$0xd] =	wrdreg s24  }
0x10: {  	s26 =	sadd.s32 s0, s16;
	[dreg:$0xe] =	wrdreg s15  }
0x11: {  	s6 =	sadd.s32 s3, s6;
	[dreg:$0x10] =	wrdreg s26  }
0x12: {  	s2 =	sadd.s32 s0, s5;
	s19 =	sadd.s32 s3, s19;
	[dreg:$0x12] =	wrdreg s6  }
0x13: {  	s31 =	sadd.s32 s3, s5;
	s20 =	sadd.s32 s3, s20;
	[dreg:$0x14] =	wrdreg s19  }
0x14: {  	s22 =	sadd.s32 s3, s22;
	s23 =	sadd.s32 s3, s23;
	[dreg:$0x15] =	wrdreg s20  }
0x15: {  	s25 =	sadd.s32 s3, s25;
	s29 =	sadd.s32 s3, s16;
	[dreg:$0x17] =	wrdreg s22  }
0x16: {  	s16 =	simm.s32 $0x0;
	s15 =	sor.u32 $0x5000, s5;
	[dreg:$0x18] =	wrdreg s23  }
0x17: {  	s18 =	sadd.s32 s3, s7;
	s21 =	sadd.s32 s3, s10;
	[dreg:$0x1a] =	wrdreg s25  }
0x18: {  	s24 =	sadd.s32 s3, s13;
	s26 =	rddreg [dreg:$0x4];
	s22 =	sadd.s32 $0x6800, s2  }
0x19: {  	s6 =	sadd.s32 $0x9000, s2;
	s7 =	sadd.s32 $0x9800, s2;
	s8 =	sadd.s32 $0xA000, s2  }
0x1a: {  	s9 =	sadd.s32 $0xA800, s2;
	s10 =	sadd.s32 $0xB000, s2;
	s11 =	sadd.s32 $0xB800, s2  }
0x1b: {  	s12 =	sadd.s32 $0xC000, s2;
	s13 =	sadd.s32 $0xC800, s2;
	[dreg:$0x13] =	wrdreg s18  }
0x1c: {  	s14 =	simm.s32 $0x1;
	s17 =	sadd.s32 s0, s15;
	[dreg:$0x16] =	wrdreg s21  }
0x1d: {  	[dreg:$0x19] =	wrdreg s24;
	s28 =	sadd.s32 s3, s15;
	s25 =	sadd.s32 s26, s5  }
0x1e: {  	s26 =	sadd.s32 $0x7000, s2;
	[dreg:$0xf] =	wrdreg s17;
	s17 =	sor.u32 $0x6000, s5  }
0x1f: {  	s15 =	simm.s32 $0x2;
	s5 =	sadd.s32 $0x8800, s2;
	s0 =	sadd.s32 s0, s17  }
0x20: {  	s30 =	sadd.s32 s3, s17;
	s3 =	sadd.s32 $0x7800, s2;
	[dreg:$0x11] =	wrdreg s0  }
0x21: {  	s0 =	smax.u32 s4, $0x1;
	s4 =	sadd.s32 $0x8000, s2;
	_ =	strace $0x80000047  }
.LBB2_1:
0x22: {  	[tilespmem:s1], [sflag:$0x1] =	stream.linear.gather [hbm4b:s2+s1], $0x200, $0x38;
	[tilespmem:$0x8C00] =	vst v63  }
0x23: {  	s17 =	rddreg [dreg:$0x6];
	s18 =	simm.s32 $0x200  }
0x24: {  	[tilespmem:s18], [sflag:$0x1] =	stream.linear.gather [hbm4b:s17+s1], $0x200, $0x38;
	[tilespmem:$0x8C00] =	vst v63  }
0x25: {  	s19 =	simm.s32 $0x400;
	s18 =	rddreg [dreg:$0x7]  }
0x26: {  	[tilespmem:s19], [sflag:$0x1] =	stream.linear.gather [hbm4b:s18+s1], $0x200, $0x38;
	[tilespmem:$0x8C00] =	vst v63  }
0x27: {  	s20 =	rddreg [dreg:$0x8];
	s21 =	simm.s32 $0x600  }
0x28: {  	[tilespmem:s21], [sflag:$0x1] =	stream.linear.gather [hbm4b:s20+s1], $0x200, $0x38;
	[tilespmem:$0x8C00] =	vst v63  }
0x29: {  	s23 =	rddreg [dreg:$0x9];
	s24 =	simm.s32 $0x800  }
0x2a: {  	[tilespmem:s24], [sflag:$0x1] =	stream.linear.gather [hbm4b:s23+s1], $0x200, $0x38;
	[tilespmem:$0x8C00] =	vst v63  }
0x2b: {  	s18 =	rddreg [dreg:$0xa];
	s19 =	simm.s32 $0xA00  }
0x2c: {  	[tilespmem:s19], [sflag:$0x1] =	stream.linear.gather [hbm4b:s18+s1], $0x200, $0x38;
	[tilespmem:$0x8C00] =	vst v63  }
0x2d: {  	s20 =	rddreg [dreg:$0xb];
	s21 =	simm.s32 $0xC00  }
0x2e: {  	[tilespmem:s21], [sflag:$0x1] =	stream.linear.gather [hbm4b:s20+s1], $0x200, $0x38;
	[tilespmem:$0x8C00] =	vst v63  }
0x2f: {  	s23 =	rddreg [dreg:$0xc];
	s24 =	simm.s32 $0xE00  }
0x30: {  	[tilespmem:s24], [sflag:$0x1] =	stream.linear.gather [hbm4b:s23+s1], $0x200, $0x38;
	[tilespmem:$0x8C00] =	vst v63  }
0x31: {  	s18 =	rddreg [dreg:$0xd];
	s19 =	simm.s32 $0x1000  }
0x32: {  	[tilespmem:s19], [sflag:$0x1] =	stream.linear.gather [hbm4b:s18+s1], $0x200, $0x38;
	[tilespmem:$0x8C00] =	vst v63  }
0x33: {  	s20 =	rddreg [dreg:$0xe];
	s21 =	simm.s32 $0x1200  }
0x34: {  	[tilespmem:s21], [sflag:$0x1] =	stream.linear.gather [hbm4b:s20+s1], $0x200, $0x38;
	[tilespmem:$0x8C00] =	vst v63  }
0x35: {  	s23 =	rddreg [dreg:$0xf];
	s24 =	simm.s32 $0x1400  }
0x36: {  	[tilespmem:s24], [sflag:$0x1] =	stream.linear.gather [hbm4b:s23+s1], $0x200, $0x38;
	[tilespmem:$0x8C00] =	vst v63  }
0x37: {  	s18 =	rddreg [dreg:$0x10];
	s19 =	simm.s32 $0x1600  }
0x38: {  	[tilespmem:s19], [sflag:$0x1] =	stream.linear.gather [hbm4b:s18+s1], $0x200, $0x38;
	[tilespmem:$0x8C00] =	vst v63  }
0x39: {  	s20 =	rddreg [dreg:$0x11];
	s21 =	simm.s32 $0x1800  }
0x3a: {  	[tilespmem:s21], [sflag:$0x1] =	stream.linear.gather [hbm4b:s20+s1], $0x200, $0x38;
	[tilespmem:$0x8C00] =	vst v63  }
0x3b: {  	s23 =	simm.s32 $0x1A00  }
0x3c: {  	[tilespmem:s23], [sflag:$0x1] =	stream.linear.gather [hbm4b:s22+s1], $0x200, $0x38;
	[tilespmem:$0x8C00] =	vst v63  }
0x3d: {  	s24 =	simm.s32 $0x1C00  }
0x3e: {  	[tilespmem:s24], [sflag:$0x1] =	stream.linear.gather [hbm4b:s26+s1], $0x200, $0x38;
	[tilespmem:$0x8C00] =	vst v63  }
0x3f: {  	s18 =	simm.s32 $0x1E00  }
0x40: {  	[tilespmem:s18], [sflag:$0x1] =	stream.linear.gather [hbm4b:s3+s1], $0x200, $0x38;
	[tilespmem:$0x8C00] =	vst v63  }
0x41: {  	s19 =	simm.s32 $0x2000  }
0x42: {  	[tilespmem:s19], [sflag:$0x1] =	stream.linear.gather [hbm4b:s4+s1], $0x200, $0x38;
	[tilespmem:$0x8C00] =	vst v63  }
0x43: {  	s20 =	simm.s32 $0x2200  }
0x44: {  	[tilespmem:s20], [sflag:$0x1] =	stream.linear.gather [hbm4b:s5+s1], $0x200, $0x38;
	[tilespmem:$0x8C00] =	vst v63  }
0x45: {  	s21 =	simm.s32 $0x2400  }
0x46: {  	[tilespmem:s21], [sflag:$0x1] =	stream.linear.gather [hbm4b:s6+s1], $0x200, $0x38;
	[tilespmem:$0x8C00] =	vst v63  }
0x47: {  	s23 =	simm.s32 $0x2600  }
0x48: {  	[tilespmem:s23], [sflag:$0x1] =	stream.linear.gather [hbm4b:s7+s1], $0x200, $0x38;
	[tilespmem:$0x8C00] =	vst v63  }
0x49: {  	s24 =	simm.s32 $0x2800  }
0x4a: {  	[tilespmem:s24], [sflag:$0x1] =	stream.linear.gather [hbm4b:s8+s1], $0x200, $0x38;
	[tilespmem:$0x8C00] =	vst v63  }
0x4b: {  	s18 =	simm.s32 $0x2A00  }
0x4c: {  	[tilespmem:s18], [sflag:$0x1] =	stream.linear.gather [hbm4b:s9+s1], $0x200, $0x38;
	[tilespmem:$0x8C00] =	vst v63  }
0x4d: {  	s19 =	simm.s32 $0x2C00  }
0x4e: {  	[tilespmem:s19], [sflag:$0x1] =	stream.linear.gather [hbm4b:s10+s1], $0x200, $0x38;
	[tilespmem:$0x8C00] =	vst v63  }
0x4f: {  	s20 =	simm.s32 $0x2E00  }
0x50: {  	[tilespmem:s20], [sflag:$0x1] =	stream.linear.gather [hbm4b:s11+s1], $0x200, $0x38;
	[tilespmem:$0x8C00] =	vst v63  }
0x51: {  	s21 =	simm.s32 $0x3000  }
0x52: {  	[tilespmem:s21], [sflag:$0x1] =	stream.linear.gather [hbm4b:s12+s1], $0x200, $0x38;
	[tilespmem:$0x8C00] =	vst v63  }
0x53: {  	s23 =	simm.s32 $0x3200  }
0x54: {  	[tilespmem:s23], [sflag:$0x1] =	stream.linear.gather [hbm4b:s13+s1], $0x200, $0x38;
	[tilespmem:$0x8C00] =	vst v63  }
0x55: {  	s24 =	simm.s32 $0x6800  }
0x56: {  	[tilespmem:s24], [sflag:$0x1] =	stream.linear.gather [hbm4b:s31+s1], $0x200, $0x38;
	[tilespmem:$0x8C00] =	vst v63  }
0x57: {  	s18 =	rddreg [dreg:$0x12];
	s19 =	simm.s32 $0x6A00  }
0x58: {  	[tilespmem:s19], [sflag:$0x1] =	stream.linear.gather [hbm4b:s18+s1], $0x200, $0x38;
	[tilespmem:$0x8C00] =	vst v63  }
0x59: {  	s20 =	rddreg [dreg:$0x13];
	s21 =	simm.s32 $0x6C00  }
0x5a: {  	[tilespmem:s21], [sflag:$0x1] =	stream.linear.gather [hbm4b:s20+s1], $0x200, $0x38;
	[tilespmem:$0x8C00] =	vst v63  }
0x5b: {  	s23 =	rddreg [dreg:$0x14];
	s24 =	simm.s32 $0x6E00  }
0x5c: {  	[tilespmem:s24], [sflag:$0x1] =	stream.linear.gather [hbm4b:s23+s1], $0x200, $0x38;
	[tilespmem:$0x8C00] =	vst v63  }
0x5d: {  	s18 =	rddreg [dreg:$0x15];
	s19 =	simm.s32 $0x7000  }
0x5e: {  	[tilespmem:s19], [sflag:$0x1] =	stream.linear.gather [hbm4b:s18+s1], $0x200, $0x38;
	[tilespmem:$0x8C00] =	vst v63  }
0x5f: {  	s20 =	rddreg [dreg:$0x16];
	s21 =	simm.s32 $0x7200  }
0x60: {  	[tilespmem:s21], [sflag:$0x1] =	stream.linear.gather [hbm4b:s20+s1], $0x200, $0x38;
	[tilespmem:$0x8C00] =	vst v63  }
0x61: {  	s23 =	rddreg [dreg:$0x17];
	s24 =	simm.s32 $0x7400  }
0x62: {  	[tilespmem:s24], [sflag:$0x1] =	stream.linear.gather [hbm4b:s23+s1], $0x200, $0x38;
	[tilespmem:$0x8C00] =	vst v63  }
0x63: {  	s18 =	rddreg [dreg:$0x18];
	s19 =	simm.s32 $0x7600  }
0x64: {  	[tilespmem:s19], [sflag:$0x1] =	stream.linear.gather [hbm4b:s18+s1], $0x200, $0x38;
	[tilespmem:$0x8C00] =	vst v63  }
0x65: {  	s20 =	rddreg [dreg:$0x19];
	s21 =	simm.s32 $0x7800  }
0x66: {  	[tilespmem:s21], [sflag:$0x1] =	stream.linear.gather [hbm4b:s20+s1], $0x200, $0x38;
	[tilespmem:$0x8C00] =	vst v63  }
0x67: {  	s23 =	rddreg [dreg:$0x1a];
	s24 =	simm.s32 $0x7A00  }
0x68: {  	[tilespmem:s24], [sflag:$0x1] =	stream.linear.gather [hbm4b:s23+s1], $0x200, $0x38;
	[tilespmem:$0x8C00] =	vst v63  }
0x69: {  	s18 =	simm.s32 $0x7C00  }
0x6a: {  	[tilespmem:s18], [sflag:$0x1] =	stream.linear.gather [hbm4b:s28+s1], $0x200, $0x38;
	[tilespmem:$0x8C00] =	vst v63  }
0x6b: {  	s19 =	simm.s32 $0x7E00  }
0x6c: {  	[tilespmem:s19], [sflag:$0x1] =	stream.linear.gather [hbm4b:s29+s1], $0x200, $0x38;
	[tilespmem:$0x8C00] =	vst v63  }
0x6d: {  	s20 =	simm.s32 $0x8000  }
0x6e: {  	[tilespmem:s20], [sflag:$0x1] =	stream.linear.gather [hbm4b:s30+s1], $0x200, $0x38;
	[tilespmem:$0x8C00] =	vst v63  }
0x6f: {  	s21 =	rddreg [dreg:$0x2];
	s23 =	simm.s32 $0x8200  }
0x70: {  	[tilespmem:s23], [sflag:$0x1] =	stream.linear.gather [hbm4b:s21+s1], $0x680, $0x38;
	[tilespmem:$0x8C00] =	vst v63  }
0x71: {  	_ =	swait.ge [sflag:s14], $0x200  }
0x72: {  	[sflag:s14] =	ssyncset.done $0x0  }
0x73: {  	[sflag:s14] =	ssyncadd.s32 $0xFFFFFE00  }
0x74: {  	_ =	swait.ge [sflag:s14], $0x200  }
0x75: {  	[sflag:s14] =	ssyncset.done $0x0  }
0x76: {  	[sflag:s14] =	ssyncadd.s32 $0xFFFFFE00  }
0x77: {  	_ =	swait.ge [sflag:s14], $0x200  }
0x78: {  	[sflag:s14] =	ssyncset.done $0x0  }
0x79: {  	[sflag:s14] =	ssyncadd.s32 $0xFFFFFE00  }
0x7a: {  	_ =	swait.ge [sflag:s14], $0x200  }
0x7b: {  	[sflag:s14] =	ssyncset.done $0x0  }
0x7c: {  	[sflag:s14] =	ssyncadd.s32 $0xFFFFFE00  }
0x7d: {  	_ =	swait.ge [sflag:s14], $0x200  }
0x7e: {  	[sflag:s14] =	ssyncset.done $0x0  }
0x7f: {  	[sflag:s14] =	ssyncadd.s32 $0xFFFFFE00  }
0x80: {  	_ =	swait.ge [sflag:s14], $0x200  }
0x81: {  	[sflag:s14] =	ssyncset.done $0x0  }
0x82: {  	[sflag:s14] =	ssyncadd.s32 $0xFFFFFE00  }
0x83: {  	_ =	swait.ge [sflag:s14], $0x200  }
0x84: {  	[sflag:s14] =	ssyncset.done $0x0  }
0x85: {  	[sflag:s14] =	ssyncadd.s32 $0xFFFFFE00  }
0x86: {  	_ =	swait.ge [sflag:s14], $0x200  }
0x87: {  	[sflag:s14] =	ssyncset.done $0x0  }
0x88: {  	[sflag:s14] =	ssyncadd.s32 $0xFFFFFE00  }
0x89: {  	_ =	swait.ge [sflag:s14], $0x200  }
0x8a: {  	[sflag:s14] =	ssyncset.done $0x0  }
0x8b: {  	[sflag:s14] =	ssyncadd.s32 $0xFFFFFE00  }
0x8c: {  	_ =	swait.ge [sflag:s14], $0x200  }
0x8d: {  	[sflag:s14] =	ssyncset.done $0x0  }
0x8e: {  	[sflag:s14] =	ssyncadd.s32 $0xFFFFFE00  }
0x8f: {  	_ =	swait.ge [sflag:s14], $0x200  }
0x90: {  	[sflag:s14] =	ssyncset.done $0x0  }
0x91: {  	[sflag:s14] =	ssyncadd.s32 $0xFFFFFE00  }
0x92: {  	_ =	swait.ge [sflag:s14], $0x200  }
0x93: {  	[sflag:s14] =	ssyncset.done $0x0  }
0x94: {  	[sflag:s14] =	ssyncadd.s32 $0xFFFFFE00  }
0x95: {  	_ =	swait.ge [sflag:s14], $0x200  }
0x96: {  	[sflag:s14] =	ssyncset.done $0x0  }
0x97: {  	[sflag:s14] =	ssyncadd.s32 $0xFFFFFE00  }
0x98: {  	_ =	swait.ge [sflag:s14], $0x200  }
0x99: {  	[sflag:s14] =	ssyncset.done $0x0  }
0x9a: {  	[sflag:s14] =	ssyncadd.s32 $0xFFFFFE00  }
0x9b: {  	_ =	swait.ge [sflag:s14], $0x200  }
0x9c: {  	[sflag:s14] =	ssyncset.done $0x0  }
0x9d: {  	[sflag:s14] =	ssyncadd.s32 $0xFFFFFE00  }
0x9e: {  	_ =	swait.ge [sflag:s14], $0x200  }
0x9f: {  	[sflag:s14] =	ssyncset.done $0x0  }
0xa0: {  	[sflag:s14] =	ssyncadd.s32 $0xFFFFFE00  }
0xa1: {  	_ =	swait.ge [sflag:s14], $0x200  }
0xa2: {  	[sflag:s14] =	ssyncset.done $0x0  }
0xa3: {  	[sflag:s14] =	ssyncadd.s32 $0xFFFFFE00  }
0xa4: {  	_ =	swait.ge [sflag:s14], $0x200  }
0xa5: {  	[sflag:s14] =	ssyncset.done $0x0  }
0xa6: {  	[sflag:s14] =	ssyncadd.s32 $0xFFFFFE00  }
0xa7: {  	_ =	swait.ge [sflag:s14], $0x200  }
0xa8: {  	[sflag:s14] =	ssyncset.done $0x0  }
0xa9: {  	[sflag:s14] =	ssyncadd.s32 $0xFFFFFE00  }
0xaa: {  	_ =	swait.ge [sflag:s14], $0x200  }
0xab: {  	[sflag:s14] =	ssyncset.done $0x0  }
0xac: {  	[sflag:s14] =	ssyncadd.s32 $0xFFFFFE00  }
0xad: {  	_ =	swait.ge [sflag:s14], $0x200  }
0xae: {  	[sflag:s14] =	ssyncset.done $0x0  }
0xaf: {  	[sflag:s14] =	ssyncadd.s32 $0xFFFFFE00  }
0xb0: {  	_ =	swait.ge [sflag:s14], $0x200  }
0xb1: {  	[sflag:s14] =	ssyncset.done $0x0  }
0xb2: {  	[sflag:s14] =	ssyncadd.s32 $0xFFFFFE00  }
0xb3: {  	_ =	swait.ge [sflag:s14], $0x200  }
0xb4: {  	[sflag:s14] =	ssyncset.done $0x0  }
0xb5: {  	[sflag:s14] =	ssyncadd.s32 $0xFFFFFE00  }
0xb6: {  	_ =	swait.ge [sflag:s14], $0x200  }
0xb7: {  	[sflag:s14] =	ssyncset.done $0x0  }
0xb8: {  	[sflag:s14] =	ssyncadd.s32 $0xFFFFFE00  }
0xb9: {  	_ =	swait.ge [sflag:s14], $0x200  }
0xba: {  	[sflag:s14] =	ssyncset.done $0x0  }
0xbb: {  	[sflag:s14] =	ssyncadd.s32 $0xFFFFFE00  }
0xbc: {  	_ =	swait.ge [sflag:s14], $0x200  }
0xbd: {  	[sflag:s14] =	ssyncset.done $0x0  }
0xbe: {  	[sflag:s14] =	ssyncadd.s32 $0xFFFFFE00  }
0xbf: {  	_ =	swait.ge [sflag:s14], $0x200  }
0xc0: {  	[sflag:s14] =	ssyncset.done $0x0  }
0xc1: {  	[sflag:s14] =	ssyncadd.s32 $0xFFFFFE00  }
0xc2: {  	_ =	swait.ge [sflag:s14], $0x200  }
0xc3: {  	[sflag:s14] =	ssyncset.done $0x0  }
0xc4: {  	[sflag:s14] =	ssyncadd.s32 $0xFFFFFE00  }
0xc5: {  	_ =	swait.ge [sflag:s14], $0x200  }
0xc6: {  	[sflag:s14] =	ssyncset.done $0x0  }
0xc7: {  	[sflag:s14] =	ssyncadd.s32 $0xFFFFFE00  }
0xc8: {  	_ =	swait.ge [sflag:s14], $0x200  }
0xc9: {  	[sflag:s14] =	ssyncset.done $0x0  }
0xca: {  	[sflag:s14] =	ssyncadd.s32 $0xFFFFFE00  }
0xcb: {  	_ =	swait.ge [sflag:s14], $0x200  }
0xcc: {  	[sflag:s14] =	ssyncset.done $0x0  }
0xcd: {  	[sflag:s14] =	ssyncadd.s32 $0xFFFFFE00  }
0xce: {  	_ =	swait.ge [sflag:s14], $0x200  }
0xcf: {  	[sflag:s14] =	ssyncset.done $0x0  }
0xd0: {  	[sflag:s14] =	ssyncadd.s32 $0xFFFFFE00  }
0xd1: {  	_ =	swait.ge [sflag:s14], $0x200  }
0xd2: {  	[sflag:s14] =	ssyncset.done $0x0  }
0xd3: {  	[sflag:s14] =	ssyncadd.s32 $0xFFFFFE00  }
0xd4: {  	_ =	swait.ge [sflag:s14], $0x200  }
0xd5: {  	[sflag:s14] =	ssyncset.done $0x0  }
0xd6: {  	[sflag:s14] =	ssyncadd.s32 $0xFFFFFE00  }
0xd7: {  	_ =	swait.ge [sflag:s14], $0x200  }
0xd8: {  	[sflag:s14] =	ssyncset.done $0x0  }
0xd9: {  	[sflag:s14] =	ssyncadd.s32 $0xFFFFFE00  }
0xda: {  	_ =	swait.ge [sflag:s14], $0x200  }
0xdb: {  	[sflag:s14] =	ssyncset.done $0x0  }
0xdc: {  	[sflag:s14] =	ssyncadd.s32 $0xFFFFFE00  }
0xdd: {  	_ =	swait.ge [sflag:s14], $0x200  }
0xde: {  	[sflag:s14] =	ssyncset.done $0x0  }
0xdf: {  	[sflag:s14] =	ssyncadd.s32 $0xFFFFFE00  }
0xe0: {  	_ =	swait.ge [sflag:s14], $0x200  }
0xe1: {  	[sflag:s14] =	ssyncset.done $0x0  }
0xe2: {  	[sflag:s14] =	ssyncadd.s32 $0xFFFFFE00  }
0xe3: {  	_ =	swait.ge [sflag:s14], $0x200  }
0xe4: {  	[sflag:s14] =	ssyncset.done $0x0  }
0xe5: {  	[sflag:s14] =	ssyncadd.s32 $0xFFFFFE00  }
0xe6: {  	_ =	swait.ge [sflag:s14], $0x680  }
0xe7: {  	[sflag:s14] =	ssyncset.done $0x0  }
0xe8: {  	s17 =	simm.s32 $0x20;
	[sflag:s14] =	ssyncadd.s32 $0xFFFFF980  }
0xe9: {  	v2 =	vld [tilespmem:s17+$0xFFFFFFE0]  }
0xea: {  	v3 =	vld [tilespmem:s17+$0x0]  }
0xeb: {  	s24 =	simm.s32 $0x0;
	v0 =	vld [tilespmem:s17+$0x10]  }
0xec: {  	s19 =	smul.u32 $0x186A0, s24;
	v1 =	vld [tilespmem:s17+$0xFFFFFFF0];
	_ =	sdelay $0x1  }
0xed: {  	v2 =	vadd.s32 s19, v2  }
0xee: {  	s18 =	simm.s32 $0x0;
	s20 =	simm.s32 $0x60;
	[tilespmem:s17+$0xFFFFFFE0] =	vst v2;
	v2 =	vadd.s32 s19, v3  }
.LBB2_2:
0xef: {  	v3 =	vld [tilespmem:s20+$0xFFFFFFE0];
	[tilespmem:s17+$0x0] =	vst v2;
	v0 =	vadd.s32 s19, v0;
	s18 =	sadd.s32 $0x4, s18  }
0xf0: {  	v2 =	vld [tilespmem:s20+$0x0];
	v1 =	vadd.s32 s19, v1;
	[tilespmem:s17+$0x10] =	vst v0;
	p0 =	slt.u32 s18, $0x33C  }
.Ltmp0:
0xf1: {  	s19 =	sshrl.u32 s18, $0x5;
	v0 =	vld [tilespmem:s20+$0x10];
	[tilespmem:s17+$0xFFFFFFF0] =	vst v1;
	(pc) =	sbr.rel @p0 .LBB2_2-.Ltmp0, $3  }
0xf2: {  	s19 =	smul.u32 $0x186A0, s19;
	s17 =	smov.u32 s20;
	v1 =	vld [tilespmem:s20+$0xFFFFFFF0];
	_ =	sdelay $0x1  }
0xf3: {  	v3 =	vadd.s32 s19, v3  }
0xf4: {  	s20 =	sadd.s32 $0x40, s20;
	[tilespmem:s17+$0xFFFFFFE0] =	vst v3;
	v2 =	vadd.s32 s19, v2  }
0xf5: {  	[tilespmem:s17+$0x0] =	vst v2;
	v0 =	vadd.s32 s19, v0  }
0xf6: {  	v1 =	vadd.s32 s19, v1;
	[tilespmem:s17+$0x10] =	vst v0  }
0xf7: {  	s18 =	rddreg [dreg:$0x3];
	s23 =	simm.s32 $0x3400;
	[tilespmem:s17+$0xFFFFFFF0] =	vst v1;
	s17 =	simm.s32 $0x0  }
0xf8: {  	[tilespmem:s23], [sflag:$0x1] =	stream.indirect.gather [hbm4b:s18+s23], $0x1, s17, s23, $0xb8;
	[tilespmem:$0x8C00] =	vst v63  }
0xf9: {  	_ =	swait.ge [sflag:s14], $0x3400  }
0xfa: {  	[sflag:s14] =	ssyncset.done $0x0  }
0xfb: {  	s18 =	simm.s32 $0x4E10;
	[sflag:s14] =	ssyncadd.s32 $0xFFFFCC00  }
0xfc: {  	v0 =	vld [tilespmem:s18+$0xFFFFE5F0]  }
0xfd: {  	v1 =	vld [tilespmem:s18+$0xFFFFE7F0];
	_ =	sdelay $0x1  }
0xfe: {  	v2 =	vld [tilespmem:s18+$0xFFFFE9F0];
	_ =	sdelay $0x1  }
0xff: {  	v3 =	vld [tilespmem:s18+$0xFFFFEBF0]  }
0x100: {  	v0 =	vadd.f32 v1, v0  }
0x101: {  	v1 =	vld [tilespmem:s18+$0xFFFFEDF0]  }
0x102: {  	v0 =	vadd.f32 v2, v0  }
0x103: {  	v2 =	vld [tilespmem:s18+$0xFFFFEFF0]  }
0x104: {  	v0 =	vadd.f32 v3, v0  }
0x105: {  	v3 =	vld [tilespmem:s18+$0xFFFFF1F0]  }
0x106: {  	v0 =	vadd.f32 v1, v0  }
0x107: {  	v1 =	vld [tilespmem:s18+$0xFFFFF3F0]  }
0x108: {  	v0 =	vadd.f32 v2, v0  }
0x109: {  	v2 =	vld [tilespmem:s18+$0xFFFFF5F0]  }
0x10a: {  	v0 =	vadd.f32 v3, v0  }
0x10b: {  	v3 =	vld [tilespmem:s18+$0xFFFFF7F0]  }
0x10c: {  	v0 =	vadd.f32 v1, v0  }
0x10d: {  	v1 =	vld [tilespmem:s18+$0xFFFFF9F0]  }
0x10e: {  	v0 =	vadd.f32 v2, v0  }
0x10f: {  	v2 =	vld [tilespmem:s18+$0xFFFFFBF0]  }
0x110: {  	v0 =	vadd.f32 v3, v0  }
0x111: {  	v3 =	vld [tilespmem:s18+$0xFFFFFDF0]  }
0x112: {  	s24 =	sand.u32 $0x1E0, s17;
	v0 =	vadd.f32 v1, v0  }
0x113: {  	v1 =	vld [tilespmem:s24+$0x4E00]  }
0x114: {  	v0 =	vadd.f32 v2, v0  }
0x115: {  	v2 =	vld [tilespmem:s24+$0x5000]  }
0x116: {  	v0 =	vadd.f32 v3, v0  }
0x117: {  	v3 =	vld [tilespmem:s24+$0x5200]  }
0x118: {  	v0 =	vadd.f32 v1, v0  }
0x119: {  	v1 =	vld [tilespmem:s24+$0x5400]  }
0x11a: {  	v0 =	vadd.f32 v2, v0  }
0x11b: {  	v2 =	vld [tilespmem:s24+$0x5600]  }
0x11c: {  	v0 =	vadd.f32 v3, v0  }
0x11d: {  	v3 =	vld [tilespmem:s24+$0x5800]  }
0x11e: {  	v0 =	vadd.f32 v1, v0  }
0x11f: {  	v1 =	vld [tilespmem:s24+$0x5A00]  }
0x120: {  	v0 =	vadd.f32 v2, v0  }
0x121: {  	v2 =	vld [tilespmem:s24+$0x5C00]  }
0x122: {  	v0 =	vadd.f32 v3, v0  }
0x123: {  	v3 =	vld [tilespmem:s24+$0x5E00]  }
0x124: {  	v0 =	vadd.f32 v1, v0  }
0x125: {  	v1 =	vld [tilespmem:s24+$0x6000]  }
0x126: {  	v2 =	vadd.f32 v2, v0  }
0x127: {  	s20 =	simm.s32 $0x7410;
	v4 =	vld [tilespmem:s24+$0x6200]  }
0x128: {  	v5 =	vld [tilespmem:s20+$0xFFFFF3F0];
	v2 =	vadd.f32 v3, v2  }
0x129: {  	v3 =	vld [tilespmem:s24+$0x6400]  }
0x12a: {  	v6 =	vld [tilespmem:s24+$0x6600];
	v2 =	vadd.f32 v1, v2  }
0x12b: {  	v0 =	vld [tilespmem:$0x8200]  }
0x12c: {  	v7 =	vld [tilespmem:s20+$0xFFFFF5F0];
	v4 =	vadd.f32 v4, v2  }
0x12d: {  	v1 =	vld [tilespmem:$0x8280]  }
0x12e: {  	v8 =	vld [tilespmem:s20+$0xFFFFF7F0];
	v4 =	vadd.f32 v3, v4  }
0x12f: {  	v2 =	vld [tilespmem:$0x8300]  }
0x130: {  	v9 =	vld [tilespmem:s20+$0xFFFFF9F0];
	v5 =	vmul.f32 v5, v0;
	v6 =	vadd.f32 v6, v4  }
0x131: {  	v3 =	vld [tilespmem:$0x8380]  }
0x132: {  	v10 =	vld [tilespmem:s20+$0xFFFFFBF0];
	v7 =	vmul.f32 v7, v1;
	v6 =	vadd.f32 v5, v6  }
0x133: {  	v4 =	vld [tilespmem:$0x8400]  }
0x134: {  	v11 =	vld [tilespmem:s20+$0xFFFFFDF0];
	v8 =	vmul.f32 v8, v2;
	v7 =	vadd.f32 v7, v6  }
0x135: {  	v5 =	vld [tilespmem:$0x8480]  }
0x136: {  	v12 =	vld [tilespmem:s20+$0xFFFFFFF0];
	v9 =	vmul.f32 v9, v3;
	v8 =	vadd.f32 v8, v7  }
0x137: {  	v6 =	vld [tilespmem:$0x8500]  }
0x138: {  	v13 =	vld [tilespmem:s20+$0x1F0];
	v10 =	vmul.f32 v10, v4;
	v9 =	vadd.f32 v9, v8  }
0x139: {  	v7 =	vld [tilespmem:$0x8580]  }
0x13a: {  	v14 =	vld [tilespmem:s20+$0x3F0];
	v11 =	vmul.f32 v11, v5;
	v10 =	vadd.f32 v10, v9  }
0x13b: {  	v8 =	vld [tilespmem:$0x8600]  }
0x13c: {  	v15 =	vld [tilespmem:s20+$0x5F0];
	v12 =	vmul.f32 v12, v6;
	v11 =	vadd.f32 v11, v10  }
0x13d: {  	v9 =	vld [tilespmem:$0x8680]  }
0x13e: {  	v16 =	vld [tilespmem:s20+$0x7F0];
	v13 =	vmul.f32 v13, v7;
	v12 =	vadd.f32 v12, v11  }
0x13f: {  	v10 =	vld [tilespmem:$0x8700]  }
0x140: {  	v17 =	vld [tilespmem:s20+$0x9F0];
	v14 =	vmul.f32 v14, v8;
	v13 =	vadd.f32 v13, v12  }
0x141: {  	v11 =	vld [tilespmem:$0x8780]  }
0x142: {  	v12 =	vld [tilespmem:$0x8800];
	v13 =	vadd.f32 v14, v13;
	v14 =	vmul.f32 v15, v9  }
0x143: {  	v15 =	vld [tilespmem:s20+$0xBF0]  }
0x144: {  	v13 =	vadd.f32 v14, v13;
	v14 =	vmul.f32 v16, v10;
	_ =	sdelay $0x1  }
0x145: {  	v13 =	vadd.f32 v14, v13;
	v14 =	vmul.f32 v17, v11;
	_ =	sdelay $0x1  }
0x146: {  	v13 =	vadd.f32 v14, v13;
	v14 =	vmul.f32 v15, v12;
	_ =	sdelay $0x1  }
0x147: {  	v13 =	vadd.f32 v14, v13  }
0x148: {  	s19 =	simm.s32 $0x8A10  }
0x149: {  	[tilespmem:s19+$0xFFFFFFF0] =	vst v13  }
0x14a: {  	v13 =	vld [tilespmem:s18+$0xFFFFE600]  }
0x14b: {  	v14 =	vld [tilespmem:s18+$0xFFFFE800];
	_ =	sdelay $0x1  }
0x14c: {  	v15 =	vld [tilespmem:s18+$0xFFFFEA00];
	_ =	sdelay $0x1  }
0x14d: {  	v49 =	vld [tilespmem:s18+$0xFFFFEC00]  }
0x14e: {  	v13 =	vadd.f32 v14, v13  }
0x14f: {  	v14 =	vld [tilespmem:s18+$0xFFFFEE00]  }
0x150: {  	v13 =	vadd.f32 v15, v13  }
0x151: {  	v15 =	vld [tilespmem:s18+$0xFFFFF000]  }
0x152: {  	v13 =	vadd.f32 v49, v13  }
0x153: {  	v50 =	vld [tilespmem:s18+$0xFFFFF200]  }
0x154: {  	v13 =	vadd.f32 v14, v13  }
0x155: {  	v14 =	vld [tilespmem:s18+$0xFFFFF400]  }
0x156: {  	v13 =	vadd.f32 v15, v13  }
0x157: {  	v15 =	vld [tilespmem:s18+$0xFFFFF600]  }
0x158: {  	v13 =	vadd.f32 v50, v13  }
0x159: {  	v51 =	vld [tilespmem:s18+$0xFFFFF800]  }
0x15a: {  	v13 =	vadd.f32 v14, v13  }
0x15b: {  	v14 =	vld [tilespmem:s18+$0xFFFFFA00]  }
0x15c: {  	v13 =	vadd.f32 v15, v13  }
0x15d: {  	v15 =	vld [tilespmem:s18+$0xFFFFFC00]  }
0x15e: {  	v13 =	vadd.f32 v51, v13  }
0x15f: {  	v52 =	vld [tilespmem:s18+$0xFFFFFE00]  }
0x160: {  	v13 =	vadd.f32 v14, v13  }
0x161: {  	v14 =	vld [tilespmem:s18+$0x0]  }
0x162: {  	v13 =	vadd.f32 v15, v13  }
0x163: {  	v15 =	vld [tilespmem:s18+$0x200]  }
0x164: {  	v13 =	vadd.f32 v52, v13  }
0x165: {  	v53 =	vld [tilespmem:s18+$0x400]  }
0x166: {  	v13 =	vadd.f32 v14, v13  }
0x167: {  	v14 =	vld [tilespmem:s18+$0x600]  }
0x168: {  	v13 =	vadd.f32 v15, v13  }
0x169: {  	v15 =	vld [tilespmem:s18+$0x800]  }
0x16a: {  	v13 =	vadd.f32 v53, v13  }
0x16b: {  	v54 =	vld [tilespmem:s18+$0xA00]  }
0x16c: {  	v13 =	vadd.f32 v14, v13  }
0x16d: {  	v14 =	vld [tilespmem:s18+$0xC00]  }
0x16e: {  	v13 =	vadd.f32 v15, v13  }
0x16f: {  	v15 =	vld [tilespmem:s18+$0xE00]  }
0x170: {  	v13 =	vadd.f32 v54, v13  }
0x171: {  	v55 =	vld [tilespmem:s18+$0x1000]  }
0x172: {  	v13 =	vadd.f32 v14, v13  }
0x173: {  	v14 =	vld [tilespmem:s18+$0x1200]  }
0x174: {  	v13 =	vadd.f32 v15, v13  }
0x175: {  	v15 =	vld [tilespmem:s18+$0x1400]  }
0x176: {  	v13 =	vadd.f32 v55, v13  }
0x177: {  	v56 =	vld [tilespmem:s18+$0x1600]  }
0x178: {  	v57 =	vld [tilespmem:s20+$0xFFFFF400];
	v13 =	vadd.f32 v14, v13  }
0x179: {  	v14 =	vld [tilespmem:s18+$0x1800]  }
0x17a: {  	v13 =	vadd.f32 v15, v13  }
0x17b: {  	v15 =	vld [tilespmem:s20+$0xFFFFF600]  }
0x17c: {  	v13 =	vadd.f32 v56, v13  }
0x17d: {  	v58 =	vld [tilespmem:s20+$0xFFFFF800]  }
0x17e: {  	v17 =	vmul.f32 v57, v0;
	v13 =	vadd.f32 v14, v13  }
0x17f: {  	v14 =	vld [tilespmem:s20+$0xFFFFFA00]  }
0x180: {  	v15 =	vmul.f32 v15, v1;
	v13 =	vadd.f32 v17, v13  }
0x181: {  	v59 =	vld [tilespmem:s20+$0xFFFFFC00]  }
0x182: {  	v16 =	vmul.f32 v58, v2;
	v13 =	vadd.f32 v15, v13  }
0x183: {  	v15 =	vld [tilespmem:s20+$0xFFFFFE00]  }
0x184: {  	v14 =	vmul.f32 v14, v3;
	v13 =	vadd.f32 v16, v13  }
0x185: {  	v60 =	vld [tilespmem:s20+$0x0]  }
0x186: {  	v17 =	vmul.f32 v59, v4;
	v13 =	vadd.f32 v14, v13  }
0x187: {  	v14 =	vld [tilespmem:s20+$0x200]  }
0x188: {  	v15 =	vmul.f32 v15, v5;
	v13 =	vadd.f32 v17, v13  }
0x189: {  	v61 =	vld [tilespmem:s20+$0x400]  }
0x18a: {  	v16 =	vmul.f32 v60, v6;
	v13 =	vadd.f32 v15, v13  }
0x18b: {  	v15 =	vld [tilespmem:s20+$0x600]  }
0x18c: {  	v14 =	vmul.f32 v14, v7;
	v13 =	vadd.f32 v16, v13  }
0x18d: {  	v62 =	vld [tilespmem:s20+$0x800]  }
0x18e: {  	v17 =	vmul.f32 v61, v8;
	v13 =	vadd.f32 v14, v13  }
0x18f: {  	v14 =	vld [tilespmem:s20+$0xA00]  }
0x190: {  	v15 =	vmul.f32 v15, v9;
	v13 =	vadd.f32 v17, v13  }
0x191: {  	v63 =	vld [tilespmem:s20+$0xC00]  }
0x192: {  	v16 =	vmul.f32 v62, v10;
	v13 =	vadd.f32 v15, v13;
	_ =	sdelay $0x1  }
0x193: {  	v14 =	vmul.f32 v14, v11;
	v13 =	vadd.f32 v16, v13;
	_ =	sdelay $0x1  }
0x194: {  	v15 =	vmul.f32 v63, v12;
	v13 =	vadd.f32 v14, v13;
	_ =	sdelay $0x1  }
0x195: {  	s21 =	simm.s32 $0x8A30;
	s23 =	simm.s32 $0x7430;
	s20 =	simm.s32 $0x0;
	v13 =	vadd.f32 v15, v13  }
.LBB2_4:
0x196: {  	s20 =	sadd.s32 $0x2, s20;
	s18 =	sadd.s32 $0x20, s18;
	s17 =	sadd.s32 $0x20, s17  }
0x197: {  	p0 =	slt.u32 s20, $0x1E;
	[tilespmem:s19+$0x0] =	vst v13;
	s19 =	smov.u32 s21  }
0x198: {  	v13 =	vld [tilespmem:s18+$0xFFFFE5F0]  }
0x199: {  	v14 =	vld [tilespmem:s18+$0xFFFFE7F0];
	_ =	sdelay $0x1  }
0x19a: {  	v15 =	vld [tilespmem:s18+$0xFFFFE9F0];
	_ =	sdelay $0x1  }
0x19b: {  	v16 =	vld [tilespmem:s18+$0xFFFFEBF0]  }
0x19c: {  	v13 =	vadd.f32 v14, v13  }
0x19d: {  	v14 =	vld [tilespmem:s18+$0xFFFFEDF0]  }
0x19e: {  	v13 =	vadd.f32 v15, v13  }
0x19f: {  	v15 =	vld [tilespmem:s18+$0xFFFFEFF0]  }
0x1a0: {  	v13 =	vadd.f32 v16, v13  }
0x1a1: {  	v16 =	vld [tilespmem:s18+$0xFFFFF1F0]  }
0x1a2: {  	v13 =	vadd.f32 v14, v13  }
0x1a3: {  	v14 =	vld [tilespmem:s18+$0xFFFFF3F0]  }
0x1a4: {  	v13 =	vadd.f32 v15, v13  }
0x1a5: {  	v15 =	vld [tilespmem:s18+$0xFFFFF5F0]  }
0x1a6: {  	v13 =	vadd.f32 v16, v13  }
0x1a7: {  	v16 =	vld [tilespmem:s18+$0xFFFFF7F0]  }
0x1a8: {  	v13 =	vadd.f32 v14, v13  }
0x1a9: {  	v14 =	vld [tilespmem:s18+$0xFFFFF9F0]  }
0x1aa: {  	v13 =	vadd.f32 v15, v13  }
0x1ab: {  	v15 =	vld [tilespmem:s18+$0xFFFFFBF0]  }
0x1ac: {  	v13 =	vadd.f32 v16, v13  }
0x1ad: {  	v16 =	vld [tilespmem:s18+$0xFFFFFDF0]  }
0x1ae: {  	s24 =	sand.u32 $0x1E0, s17;
	v13 =	vadd.f32 v14, v13  }
0x1af: {  	v14 =	vld [tilespmem:s24+$0x4E00]  }
0x1b0: {  	v13 =	vadd.f32 v15, v13  }
0x1b1: {  	v15 =	vld [tilespmem:s24+$0x5000]  }
0x1b2: {  	v13 =	vadd.f32 v16, v13  }
0x1b3: {  	v16 =	vld [tilespmem:s24+$0x5200]  }
0x1b4: {  	v13 =	vadd.f32 v14, v13  }
0x1b5: {  	v14 =	vld [tilespmem:s24+$0x5400]  }
0x1b6: {  	v13 =	vadd.f32 v15, v13  }
0x1b7: {  	v15 =	vld [tilespmem:s24+$0x5600]  }
0x1b8: {  	v13 =	vadd.f32 v16, v13  }
0x1b9: {  	v16 =	vld [tilespmem:s24+$0x5800]  }
0x1ba: {  	v13 =	vadd.f32 v14, v13  }
0x1bb: {  	v14 =	vld [tilespmem:s24+$0x5A00]  }
0x1bc: {  	v13 =	vadd.f32 v15, v13  }
0x1bd: {  	v15 =	vld [tilespmem:s24+$0x5C00]  }
0x1be: {  	v13 =	vadd.f32 v16, v13  }
0x1bf: {  	v16 =	vld [tilespmem:s24+$0x5E00]  }
0x1c0: {  	v13 =	vadd.f32 v14, v13  }
0x1c1: {  	v14 =	vld [tilespmem:s24+$0x6000]  }
0x1c2: {  	v13 =	vadd.f32 v15, v13  }
0x1c3: {  	v15 =	vld [tilespmem:s24+$0x6200]  }
0x1c4: {  	v13 =	vadd.f32 v16, v13  }
0x1c5: {  	v16 =	vld [tilespmem:s24+$0x6400]  }
0x1c6: {  	v13 =	vadd.f32 v14, v13;
	v14 =	vld [tilespmem:s23+$0xFFFFF3F0]  }
0x1c7: {  	v17 =	vld [tilespmem:s24+$0x6600]  }
0x1c8: {  	v13 =	vadd.f32 v15, v13  }
0x1c9: {  	v15 =	vld [tilespmem:s23+$0xFFFFF5F0]  }
0x1ca: {  	v13 =	vadd.f32 v16, v13  }
0x1cb: {  	v16 =	vld [tilespmem:s23+$0xFFFFF7F0]  }
0x1cc: {  	v14 =	vmul.f32 v14, v0;
	v13 =	vadd.f32 v17, v13  }
0x1cd: {  	v17 =	vld [tilespmem:s23+$0xFFFFF9F0]  }
0x1ce: {  	v13 =	vadd.f32 v14, v13;
	v14 =	vmul.f32 v15, v1  }
0x1cf: {  	v15 =	vld [tilespmem:s23+$0xFFFFFBF0]  }
0x1d0: {  	v13 =	vadd.f32 v14, v13;
	v14 =	vmul.f32 v16, v2  }
0x1d1: {  	v16 =	vld [tilespmem:s23+$0xFFFFFDF0]  }
0x1d2: {  	v13 =	vadd.f32 v14, v13;
	v14 =	vmul.f32 v17, v3  }
0x1d3: {  	v17 =	vld [tilespmem:s23+$0xFFFFFFF0]  }
0x1d4: {  	v13 =	vadd.f32 v14, v13;
	v14 =	vmul.f32 v15, v4  }
0x1d5: {  	v15 =	vld [tilespmem:s23+$0x1F0]  }
0x1d6: {  	v13 =	vadd.f32 v14, v13;
	v14 =	vmul.f32 v16, v5  }
0x1d7: {  	v16 =	vld [tilespmem:s23+$0x3F0]  }
0x1d8: {  	v13 =	vadd.f32 v14, v13;
	v14 =	vmul.f32 v17, v6  }
0x1d9: {  	v17 =	vld [tilespmem:s23+$0x5F0]  }
0x1da: {  	v13 =	vadd.f32 v14, v13;
	v14 =	vmul.f32 v15, v7  }
0x1db: {  	v15 =	vld [tilespmem:s23+$0x7F0]  }
0x1dc: {  	v13 =	vadd.f32 v14, v13;
	v14 =	vmul.f32 v16, v8  }
0x1dd: {  	v16 =	vld [tilespmem:s23+$0x9F0]  }
0x1de: {  	v13 =	vadd.f32 v14, v13;
	v14 =	vmul.f32 v17, v9  }
0x1df: {  	v17 =	vld [tilespmem:s23+$0xBF0]  }
0x1e0: {  	v13 =	vadd.f32 v14, v13;
	v14 =	vmul.f32 v15, v10;
	_ =	sdelay $0x1  }
0x1e1: {  	v13 =	vadd.f32 v14, v13;
	v14 =	vmul.f32 v16, v11;
	_ =	sdelay $0x1  }
0x1e2: {  	v13 =	vadd.f32 v14, v13;
	v14 =	vmul.f32 v17, v12;
	_ =	sdelay $0x1  }
0x1e3: {  	v13 =	vadd.f32 v14, v13;
	_ =	sdelay $0x1  }
0x1e4: {  	[tilespmem:s21+$0xFFFFFFF0] =	vst v13  }
0x1e5: {  	v13 =	vld [tilespmem:s18+$0xFFFFE600]  }
0x1e6: {  	v14 =	vld [tilespmem:s18+$0xFFFFE800]  }
0x1e7: {  	v15 =	vld [tilespmem:s18+$0xFFFFEA00];
	_ =	sdelay $0x1  }
0x1e8: {  	v16 =	vld [tilespmem:s18+$0xFFFFEC00];
	_ =	sdelay $0x1  }
0x1e9: {  	v13 =	vadd.f32 v14, v13;
	v14 =	vld [tilespmem:s18+$0xFFFFEE00];
	_ =	sdelay $0x1  }
0x1ea: {  	v13 =	vadd.f32 v15, v13;
	v15 =	vld [tilespmem:s18+$0xFFFFF000];
	_ =	sdelay $0x1  }
0x1eb: {  	v13 =	vadd.f32 v16, v13;
	v16 =	vld [tilespmem:s18+$0xFFFFF200];
	_ =	sdelay $0x1  }
0x1ec: {  	v13 =	vadd.f32 v14, v13;
	v14 =	vld [tilespmem:s18+$0xFFFFF400];
	_ =	sdelay $0x1  }
0x1ed: {  	v13 =	vadd.f32 v15, v13;
	v15 =	vld [tilespmem:s18+$0xFFFFF600];
	_ =	sdelay $0x1  }
0x1ee: {  	v13 =	vadd.f32 v16, v13;
	v16 =	vld [tilespmem:s18+$0xFFFFF800];
	_ =	sdelay $0x1  }
0x1ef: {  	v13 =	vadd.f32 v14, v13;
	v14 =	vld [tilespmem:s18+$0xFFFFFA00];
	_ =	sdelay $0x1  }
0x1f0: {  	v13 =	vadd.f32 v15, v13;
	v15 =	vld [tilespmem:s18+$0xFFFFFC00];
	_ =	sdelay $0x1  }
0x1f1: {  	v13 =	vadd.f32 v16, v13;
	v16 =	vld [tilespmem:s18+$0xFFFFFE00];
	_ =	sdelay $0x1  }
0x1f2: {  	v13 =	vadd.f32 v14, v13;
	v14 =	vld [tilespmem:s18+$0x0];
	_ =	sdelay $0x1  }
0x1f3: {  	v13 =	vadd.f32 v15, v13;
	v15 =	vld [tilespmem:s18+$0x200];
	_ =	sdelay $0x1  }
0x1f4: {  	v13 =	vadd.f32 v16, v13;
	v16 =	vld [tilespmem:s18+$0x400];
	_ =	sdelay $0x1  }
0x1f5: {  	v13 =	vadd.f32 v14, v13;
	v14 =	vld [tilespmem:s18+$0x600];
	_ =	sdelay $0x1  }
0x1f6: {  	v13 =	vadd.f32 v15, v13;
	v15 =	vld [tilespmem:s18+$0x800];
	_ =	sdelay $0x1  }
0x1f7: {  	v13 =	vadd.f32 v16, v13;
	v16 =	vld [tilespmem:s18+$0xA00];
	_ =	sdelay $0x1  }
0x1f8: {  	v13 =	vadd.f32 v14, v13;
	v14 =	vld [tilespmem:s18+$0xC00];
	_ =	sdelay $0x1  }
0x1f9: {  	v13 =	vadd.f32 v15, v13;
	v15 =	vld [tilespmem:s18+$0xE00];
	_ =	sdelay $0x1  }
0x1fa: {  	v13 =	vadd.f32 v16, v13;
	v16 =	vld [tilespmem:s18+$0x1000];
	_ =	sdelay $0x1  }
0x1fb: {  	v13 =	vadd.f32 v14, v13;
	v14 =	vld [tilespmem:s18+$0x1200];
	_ =	sdelay $0x1  }
0x1fc: {  	v13 =	vadd.f32 v15, v13;
	v15 =	vld [tilespmem:s18+$0x1400];
	_ =	sdelay $0x1  }
0x1fd: {  	v13 =	vadd.f32 v16, v13;
	v16 =	vld [tilespmem:s18+$0x1600]  }
0x1fe: {  	v17 =	vld [tilespmem:s23+$0xFFFFF400]  }
0x1ff: {  	v13 =	vadd.f32 v14, v13;
	v14 =	vld [tilespmem:s18+$0x1800];
	_ =	sdelay $0x1  }
0x200: {  	v13 =	vadd.f32 v15, v13;
	v15 =	vld [tilespmem:s23+$0xFFFFF600];
	_ =	sdelay $0x1  }
0x201: {  	v13 =	vadd.f32 v16, v13;
	v16 =	vld [tilespmem:s23+$0xFFFFF800]  }
0x202: {  	v17 =	vmul.f32 v17, v0  }
0x203: {  	v13 =	vadd.f32 v14, v13;
	v14 =	vld [tilespmem:s23+$0xFFFFFA00]  }
0x204: {  	v15 =	vmul.f32 v15, v1  }
0x205: {  	v13 =	vadd.f32 v17, v13;
	v17 =	vld [tilespmem:s23+$0xFFFFFC00]  }
0x206: {  	v16 =	vmul.f32 v16, v2  }
0x207: {  	v13 =	vadd.f32 v15, v13;
	v15 =	vld [tilespmem:s23+$0xFFFFFE00]  }
0x208: {  	v14 =	vmul.f32 v14, v3  }
0x209: {  	v13 =	vadd.f32 v16, v13;
	v16 =	vld [tilespmem:s23+$0x0]  }
0x20a: {  	v17 =	vmul.f32 v17, v4  }
0x20b: {  	v13 =	vadd.f32 v14, v13;
	v14 =	vld [tilespmem:s23+$0x200]  }
0x20c: {  	v15 =	vmul.f32 v15, v5  }
0x20d: {  	v13 =	vadd.f32 v17, v13;
	v17 =	vld [tilespmem:s23+$0x400]  }
0x20e: {  	v16 =	vmul.f32 v16, v6  }
0x20f: {  	v13 =	vadd.f32 v15, v13;
	v15 =	vld [tilespmem:s23+$0x600]  }
0x210: {  	v14 =	vmul.f32 v14, v7  }
0x211: {  	v13 =	vadd.f32 v16, v13;
	v16 =	vld [tilespmem:s23+$0x800]  }
0x212: {  	v17 =	vmul.f32 v17, v8  }
0x213: {  	v13 =	vadd.f32 v14, v13;
	v14 =	vld [tilespmem:s23+$0xA00]  }
0x214: {  	v15 =	vmul.f32 v15, v9  }
0x215: {  	v13 =	vadd.f32 v17, v13;
	v17 =	vld [tilespmem:s23+$0xC00]  }
0x216: {  	v16 =	vmul.f32 v16, v10  }
0x217: {  	v13 =	vadd.f32 v15, v13  }
0x218: {  	v14 =	vmul.f32 v14, v11  }
.Ltmp1:
0x219: {  	v13 =	vadd.f32 v16, v13;
	(pc) =	sbr.rel @p0 .LBB2_4-.Ltmp1, $3  }
0x21a: {  	v15 =	vmul.f32 v17, v12  }
0x21b: {  	v13 =	vadd.f32 v14, v13;
	_ =	sdelay $0x1  }
0x21c: {  	s21 =	sadd.s32 $0x20, s21;
	s23 =	sadd.s32 $0x20, s23;
	v13 =	vadd.f32 v15, v13  }
0x21d: {  	s16 =	sadd.s32 $0x1, s16  }
0x21e: {  	p0 =	sne.s32 s16, s0  }
.Ltmp2:
0x21f: {  	s17 =	simm.s32 $0x8A00;
	[tilespmem:s19+$0x0] =	vst v13;
	(pc) =	sbr.rel @p0 .LBB2_1-.Ltmp2, $4  }
0x220: {  	[hbm4b:s25+s1] =	stream.linear.scatter [tilespmem:s17], [sflag:$0x2], $0x200, $0x38;
	[tilespmem:$0x8C00] =	vst v63  }
0x221: {  	_ =	swait.ge [sflag:s15], $0x200  }
0x222: {  	[sflag:s15] =	ssyncset.done $0x0  }
0x223: {  	[sflag:s15] =	ssyncadd.s32 $0xFFFFFE00  }
0x224: {  	_ =	sfence.sel $0x180000  }
0x225: {  	[bflag:$0x0] =	sbarrier.arrive $0xFFFF  }
0x226: {  	_ =	strace $0x90000047  }
0x227: {  	s0 =	stileid.u32;
	[bflag:$0x2] =	sbarrier.arrive $0xFFFF  }
0x228: {  	p0 =	sne.s32 s0, $0x0;
	s0 =	rddreg [dreg:$0x5]  }
0x229: {  	s0 =	sadd.s32 @!p0 $0x100000, s0  }
0x22a: {  	[sflag:s0] =	ssyncadd.tile.s32 @!p0 $0x1;
	_ =	shalt  }
.Lfunc_end2:
_tile_overlayer_lowered:
.L_overlay_start_2:
0x22b: {  	(tag) =	ssettag $0x2  }
0x22c: {  	s0 =	rddreg [dreg:$0x0];
	s2 =	stileid.u32  }
0x22d: {  	s1 =	rddreg [dreg:$0x1];
	p0 =	sne.s32 s2, $0x0  }
0x22e: {  	s3 =	rddreg [dreg:$0x2];
	[bflag:$0x3] =	sbarrier.arrive $0xFFFF;
	s2 =	simm.s32 @!p0 $0x1C02  }
0x22f: {  	[timem:s3], [sflag:s2] =	dma.local @!p0 [hbm:s0], s1  }
0x230: {  	s0 =	simm.s32 @!p0 $0x2  }
0x231: {  	_ =	swait.ge @!p0 [sflag:s0], s1  }
0x232: {  	s1 =	ssub.s32 @!p0 $0x0, s1;
	[sflag:s0] =	ssyncset.done @!p0 $0x0  }
0x233: {  	[sflag:s0] =	ssyncadd.s32 @!p0 s1  }
0x234: {  	[bflag:$0x3] =	sbarrier.arrive $0xFFFF  }
0x235: {  	_ =	shalt  }

</sc_bundles>
